<compile_context>
chip_gen: v7x
topology: tpu7x:2x2x1
jax: 0.10.2.dev20260603
libtpu: 0.0.44.dev20260713+nightly
codegen_flags: <defaults>
</compile_context>

<pallas_src>
import functools

import jax
import jax.numpy as jnp
from jax import lax
from jax.experimental import pallas as pl
from jax.experimental.pallas import tpu as pltpu
from jax.experimental.pallas import tpu_sc as plsc

_ROWS = 16384
_COLS = 4096
_N = _ROWS * _COLS
_SPLIT = 12800
_NC = 2
_NS = 16
_NW = _NC * _NS
_SCROWS = _ROWS - _SPLIT
_WROWS = _SCROWS // _NW
_CR = 8
_CC = 2048
_C = _CR * _CC
_NCHUNK = (_WROWS // _CR) * (_COLS // _CC)
_GPC = _C // 64
_TCBLK = 256

assert _SCROWS % (_NW * _CR) == 0
assert _SPLIT % _TCBLK == 0

_mesh = plsc.VectorSubcoreMesh(core_axis_name="c", subcore_axis_name="s")


@functools.partial(
    pl.kernel,
    mesh=_mesh,
    compiler_params=pltpu.CompilerParams(needs_layout_passes=False),
    out_type=(
        jax.ShapeDtypeStruct((_NW, 16), jnp.float32),
        jax.ShapeDtypeStruct((_NW, 16), jnp.int32),
    ),
    scratch_types=[
        pltpu.VMEM((_CR, _CC), jnp.float32),
        pltpu.VMEM((_CR, _CC), jnp.float32),
        pltpu.VMEM((_CR, _CC), jnp.float32),
        pltpu.VMEM((_CR, _CC), jnp.float32),
        pltpu.VMEM((_C,), jnp.int8),
        pltpu.VMEM((_C,), jnp.int8),
        pltpu.VMEM((16,), jnp.float32),
        pltpu.VMEM((16,), jnp.int32),
        pltpu.SemaphoreType.DMA,
        pltpu.SemaphoreType.DMA,
        pltpu.SemaphoreType.DMA,
        pltpu.SemaphoreType.DMA,
        pltpu.SemaphoreType.DMA,
        pltpu.SemaphoreType.DMA,
    ],
)
def _sc_loss(p_hbm, t_hbm, m_hbm, sum_hbm, cnt_hbm,
             p0, p1, t0, t1, m0, m1, osum, ocnt,
             sp0, sp1, st0, st1, sm0, sm1):
    wid = lax.axis_index("s") * _NC + lax.axis_index("c")
    row0 = _SPLIT + wid * _WROWS

    pbuf = (p0, p1)
    tbuf = (t0, t1)
    mbuf = (m0, m1)
    psem = (sp0, sp1)
    tsem = (st0, st1)
    msem = (sm0, sm1)

    def _copies(slot, chunk):
        rb = chunk >> 1
        ch0 = (chunk & 1) * _CC
        r = row0 + rb * _CR
        out = [
            pltpu.make_async_copy(
                p_hbm.at[pl.ds(r, _CR), pl.ds(ch0, _CC)],
                pbuf[slot], psem[slot]),
            pltpu.make_async_copy(
                t_hbm.at[pl.ds(r, _CR), pl.ds(ch0, _CC)],
                tbuf[slot], tsem[slot]),
        ]
        mrow0 = (r - _SPLIT) * _COLS + ch0
        for k in range(_CR):
            out.append(pltpu.make_async_copy(
                m_hbm.at[pl.ds(mrow0 + k * _COLS, _CC)],
                mbuf[slot].at[pl.ds(k * _CC, _CC)], msem[slot]))
        return out

    def _issue(slot, chunk):
        for c in _copies(slot, chunk):
            c.start()

    def _wait(slot, chunk):
        for c in _copies(slot, chunk):
            c.wait()

    iota = lax.iota(jnp.int32, 16)
    offs = tuple(iota * 4 + b for b in range(4))
    ones_w = jnp.int32(0x01010101)
    zeros16 = jnp.zeros((16,), jnp.int32)

    def _consume(slot, acc, cnt):
        pb, tb, mb = pbuf[slot], tbuf[slot], mbuf[slot]

        def group(g, carry):
            a, c = carry
            mv8 = mb[pl.ds(g * 64, 64)]
            mw = plsc.bitcast(mv8, jnp.int32)
            c = c + ((mw & ones_w) * ones_w >> 24)
            rowv = zeros16 + (g >> 5)
            c0 = (g & 31) * 64
            for b in range(4):
                bits = (mw >> (8 * b)) & 1 if b else mw & 1
                keep = bits == 0
                colv = offs[b] + c0
                pv = plsc.load_gather(pb, [rowv, colv])
                tv = plsc.load_gather(tb, [rowv, colv])
                d = pv - tv
                a = a + jnp.where(keep, d * d, jnp.float32(0.0))
            return a, c

        return lax.fori_loop(0, _GPC, group, (acc, cnt))

    acc = jnp.zeros((16,), jnp.float32)
    cnt = jnp.zeros((16,), jnp.int32)

    _issue(0, 0)

    def body(i, carry):
        acc, cnt = carry
        c0 = i * 2
        _issue(1, c0 + 1)
        _wait(0, c0)
        acc, cnt = _consume(0, acc, cnt)

        @pl.when(c0 + 2 < _NCHUNK)
        def _():
            _issue(0, c0 + 2)

        _wait(1, c0 + 1)
        acc, cnt = _consume(1, acc, cnt)
        return acc, cnt

    acc, cnt = lax.fori_loop(0, _NCHUNK // 2, body, (acc, cnt))

    osum[...] = acc
    ocnt[...] = cnt
    pltpu.sync_copy(osum, sum_hbm.at[wid])
    pltpu.sync_copy(ocnt, cnt_hbm.at[wid])


def _tc_body(pred_ref, target_ref, mask_ref, sum_ref, cnt_ref, accs_ref, accc_ref):
    i = pl.program_id(0)

    @pl.when(i == 0)
    def _init():
        accs_ref[0] = jnp.float32(0.0)
        accc_ref[0] = jnp.int32(0)

    p = pred_ref[...]
    t = target_ref[...]
    m = mask_ref[...]
    d = p - t
    d2 = d * d
    d2m = jnp.where(m != 0, jnp.float32(jnp.nan), d2)
    valid = d2m == d2m
    accs_ref[0] += jnp.sum(jnp.where(valid, d2, jnp.float32(0.0)))
    accc_ref[0] += jnp.sum(valid.astype(jnp.int32))

    @pl.when(i == pl.num_programs(0) - 1)
    def _fini():
        sum_ref[0, 0] = accs_ref[0]
        cnt_ref[0, 0] = accc_ref[0]


def _tc_loss(p2, t2, m2):
    grid = (_SPLIT // _TCBLK,)
    return pl.pallas_call(
        _tc_body,
        grid=grid,
        in_specs=[
            pl.BlockSpec((_TCBLK, _COLS), lambda i: (i, 0)),
            pl.BlockSpec((_TCBLK, _COLS), lambda i: (i, 0)),
            pl.BlockSpec((_TCBLK, _COLS), lambda i: (i, 0)),
        ],
        out_specs=(
            pl.BlockSpec(memory_space=pltpu.SMEM),
            pl.BlockSpec(memory_space=pltpu.SMEM),
        ),
        out_shape=(
            jax.ShapeDtypeStruct((1, 1), jnp.float32),
            jax.ShapeDtypeStruct((1, 1), jnp.int32),
        ),
        scratch_shapes=[
            pltpu.SMEM((1,), jnp.float32),
            pltpu.SMEM((1,), jnp.int32),
        ],
        compiler_params=pltpu.CompilerParams(
            dimension_semantics=("arbitrary",),
        ),
    )(p2, t2, m2)


def kernel(pred, target, mask):
    p2 = pred.reshape(_ROWS, _COLS)
    t2 = target.reshape(_ROWS, _COLS)
    m8 = mask.view(jnp.int8).reshape(_ROWS, _COLS)
    m8sc = m8[_SPLIT:].reshape(_SCROWS * _COLS)
    sc_sums, sc_cnts = _sc_loss(p2, t2, m8sc)
    tc_sum, tc_cnt = _tc_loss(p2, t2, m8)
    total = tc_sum[0, 0] + jnp.sum(sc_sums)
    sc_valid = jnp.int32(_SCROWS * _COLS) - jnp.sum(sc_cnts)
    count = (tc_cnt[0, 0] + sc_valid).astype(jnp.float32)
    return total / count

# --- scband reference (transcript-rebuilt; emitter-appended) ---
"""Pipeline reference for scband-effect-mean-loss-wrapper-1769526526085 (READ-ONLY COPY).

The authoritative reference and input builder live on the scoring server;
editing this copy changes nothing except your own understanding.
"""

import jax, jax.numpy as jnp
import numpy as np


def setup_inputs(seed: int = 0) -> dict:
    key = jax.random.key(seed)
    k1, k2, k3 = jax.random.split(key, 3)
    pred = jax.random.normal(k1, (2, 8192, 4096), dtype=jnp.float32)
    target = jax.random.normal(k2, (2, 8192, 4096), dtype=jnp.float32)
    mask = jax.random.randint(k3, (2, 8192, 4096), 0, 2).astype(jnp.bool_)
    return {"pred": pred, "target": target, "mask": mask}


def reference(pred, target, mask):
    # EffectMeanLossWrapper with loss_function = F.mse_loss (reduction='mean')
    mask_b = mask.astype(jnp.bool_)
    valid_pred = ~jnp.isnan(pred)
    valid_target = ~jnp.isnan(target)
    valid_elements = valid_pred & valid_target & (~mask_b)
    # mse over filtered elements == sum of masked squared diffs / count
    safe_pred = jnp.where(valid_elements, pred, 0.0)
    safe_target = jnp.where(valid_elements, target, 0.0)
    diff = safe_pred - safe_target
    sq = diff * diff
    count = jnp.sum(valid_elements).astype(sq.dtype)
    loss = jnp.sum(sq) / count
    return loss

if __name__ == "__main__":
    import jax
    _d = setup_inputs()
    print(jax.jit(kernel)(*tuple(_d.values())))

</pallas_src>

<mosaic_0001>
#map = affine_map<(d0, d1) -> (0, 0)>
#map1 = affine_map<(d0, d1) -> (0)>
module attributes {stable_mosaic.version = 14 : i64} {
  func.func @_sc_loss(%arg0: i32, %arg1: i32, %arg2: memref<16384x4096xf32, #tpu.memory_space<hbm>>, %arg3: memref<16384x4096xf32, #tpu.memory_space<hbm>>, %arg4: memref<14680064xi8, #tpu.memory_space<hbm>>, %arg5: memref<32x16xf32, #tpu.memory_space<hbm>>, %arg6: memref<32x16xi32, #tpu.memory_space<hbm>>, %arg7: memref<8x2048xf32, #tpu.memory_space<vmem>>, %arg8: memref<8x2048xf32, #tpu.memory_space<vmem>>, %arg9: memref<8x2048xf32, #tpu.memory_space<vmem>>, %arg10: memref<8x2048xf32, #tpu.memory_space<vmem>>, %arg11: memref<16384xi8, #tpu.memory_space<vmem>>, %arg12: memref<16384xi8, #tpu.memory_space<vmem>>, %arg13: memref<16xf32, #tpu.memory_space<vmem>>, %arg14: memref<16xi32, #tpu.memory_space<vmem>>, %arg15: memref<!tpu.dma_semaphore, #tpu.memory_space<semaphore_mem>>, %arg16: memref<!tpu.dma_semaphore, #tpu.memory_space<semaphore_mem>>, %arg17: memref<!tpu.dma_semaphore, #tpu.memory_space<semaphore_mem>>, %arg18: memref<!tpu.dma_semaphore, #tpu.memory_space<semaphore_mem>>, %arg19: memref<!tpu.dma_semaphore, #tpu.memory_space<semaphore_mem>>, %arg20: memref<!tpu.dma_semaphore, #tpu.memory_space<semaphore_mem>>) attributes {dimension_semantics = [#tpu.dimension_semantics<core_parallel>, #tpu.dimension_semantics<subcore_parallel>], iteration_bounds = array<i64: 2, 16>, scalar_prefetch = 0 : i64, scratch_operands = 14 : i64, tpu.core_type = #tpu.core_type<sc_vector_subcore>, window_params = [{transform_indices = #map}, {transform_indices = #map}, {transform_indices = #map1}, {transform_indices = #map}, {transform_indices = #map}]} {
    %mul3A = arith.constant 2 : i32
    %mul3A_0 = arith.muli %arg1, %mul3A : i32
    %add3A = arith.addi %mul3A_0, %arg0 : i32
    %mul3A_1 = arith.constant 112 : i32
    %mul3A_2 = arith.muli %add3A, %mul3A_1 : i32
    %add3A_3 = arith.constant 12800 : i32
    %add3A_4 = arith.addi %add3A_3, %mul3A_2 : i32
    %iota3A = tpu.iota {dimensions = array<i32: 0>} : vector<16xi32>
    %mul3A_5 = arith.constant 4 : i32
    %mul3A_6 = vector.broadcast %mul3A_5 : i32 to vector<16xi32>
    %mul3A_7 = arith.muli %iota3A, %mul3A_6 : vector<16xi32>
    %add3A_8 = arith.constant 0 : i32
    %add3A_9 = vector.broadcast %add3A_8 : i32 to vector<16xi32>
    %add3A_10 = arith.addi %mul3A_7, %add3A_9 : vector<16xi32>
    %mul3A_11 = arith.constant 4 : i32
    %mul3A_12 = vector.broadcast %mul3A_11 : i32 to vector<16xi32>
    %mul3A_13 = arith.muli %iota3A, %mul3A_12 : vector<16xi32>
    %add3A_14 = arith.constant 1 : i32
    %add3A_15 = vector.broadcast %add3A_14 : i32 to vector<16xi32>
    %add3A_16 = arith.addi %mul3A_13, %add3A_15 : vector<16xi32>
    %mul3A_17 = arith.constant 4 : i32
    %mul3A_18 = vector.broadcast %mul3A_17 : i32 to vector<16xi32>
    %mul3A_19 = arith.muli %iota3A, %mul3A_18 : vector<16xi32>
    %add3A_20 = arith.constant 2 : i32
    %add3A_21 = vector.broadcast %add3A_20 : i32 to vector<16xi32>
    %add3A_22 = arith.addi %mul3A_19, %add3A_21 : vector<16xi32>
    %mul3A_23 = arith.constant 4 : i32
    %mul3A_24 = vector.broadcast %mul3A_23 : i32 to vector<16xi32>
    %mul3A_25 = arith.muli %iota3A, %mul3A_24 : vector<16xi32>
    %add3A_26 = arith.constant 3 : i32
    %add3A_27 = vector.broadcast %add3A_26 : i32 to vector<16xi32>
    %add3A_28 = arith.addi %mul3A_25, %add3A_27 : vector<16xi32>
    %broadcast_in_dim3A = arith.constant 0 : i32
    %broadcast_in_dim3A_29 = vector.broadcast %broadcast_in_dim3A : i32 to vector<16xi32>
    %broadcast_in_dim3A_30 = arith.constant 0.000000e+00 : f32
    %broadcast_in_dim3A_31 = vector.broadcast %broadcast_in_dim3A_30 : f32 to vector<16xf32>
    %broadcast_in_dim3A_32 = arith.constant 0 : i32
    %broadcast_in_dim3A_33 = vector.broadcast %broadcast_in_dim3A_32 : i32 to vector<16xi32>
    %add3A_34 = arith.constant 0 : i32
    %add3A_35 = arith.addi %add3A_4, %add3A_34 : i32
    %sub3A = arith.constant 12800 : i32
    %sub3A_36 = arith.subi %add3A_35, %sub3A : i32
    %mul3A_37 = arith.constant 4096 : i32
    %mul3A_38 = arith.muli %sub3A_36, %mul3A_37 : i32
    %add3A_39 = arith.constant 0 : i32
    %add3A_40 = arith.addi %mul3A_38, %add3A_39 : i32
    %add3A_41 = arith.constant 0 : i32
    %add3A_42 = arith.addi %add3A_40, %add3A_41 : i32
    %add3A_43 = arith.constant 4096 : i32
    %add3A_44 = arith.addi %add3A_40, %add3A_43 : i32
    %add3A_45 = arith.constant 8192 : i32
    %add3A_46 = arith.addi %add3A_40, %add3A_45 : i32
    %add3A_47 = arith.constant 12288 : i32
    %add3A_48 = arith.addi %add3A_40, %add3A_47 : i32
    %add3A_49 = arith.constant 16384 : i32
    %add3A_50 = arith.addi %add3A_40, %add3A_49 : i32
    %add3A_51 = arith.constant 20480 : i32
    %add3A_52 = arith.addi %add3A_40, %add3A_51 : i32
    %add3A_53 = arith.constant 24576 : i32
    %add3A_54 = arith.addi %add3A_40, %add3A_53 : i32
    %add3A_55 = arith.constant 28672 : i32
    %add3A_56 = arith.addi %add3A_40, %add3A_55 : i32
    %dma_start3A = arith.constant 0 : i32
    %dma_start3A_57 = tpu.memref_slice %arg2[%add3A_35, %dma_start3A] : memref<16384x4096xf32, #tpu.memory_space<hbm>> -> memref<8x2048xf32, #tpu.memory_space<hbm>>
    %dma_start3A_58 = arith.constant 0 : i32
    %dma_start3A_59 = tpu.memref_slice %arg2[%add3A_35, %dma_start3A_58] : memref<16384x4096xf32, #tpu.memory_space<hbm>> -> memref<8x2048xf32, #tpu.memory_space<hbm>>
    tpu.enqueue_dma source(%dma_start3A_59 : memref<8x2048xf32, #tpu.memory_space<hbm>>) target(%arg7 : memref<8x2048xf32, #tpu.memory_space<vmem>>) target_semaphore(%arg15 : memref<!tpu.dma_semaphore, #tpu.memory_space<semaphore_mem>>)
    %dma_start3A_60 = arith.constant 0 : i32
    %dma_start3A_61 = tpu.memref_slice %arg3[%add3A_35, %dma_start3A_60] : memref<16384x4096xf32, #tpu.memory_space<hbm>> -> memref<8x2048xf32, #tpu.memory_space<hbm>>
    %dma_start3A_62 = arith.constant 0 : i32
    %dma_start3A_63 = tpu.memref_slice %arg3[%add3A_35, %dma_start3A_62] : memref<16384x4096xf32, #tpu.memory_space<hbm>> -> memref<8x2048xf32, #tpu.memory_space<hbm>>
    tpu.enqueue_dma source(%dma_start3A_63 : memref<8x2048xf32, #tpu.memory_space<hbm>>) target(%arg9 : memref<8x2048xf32, #tpu.memory_space<vmem>>) target_semaphore(%arg17 : memref<!tpu.dma_semaphore, #tpu.memory_space<semaphore_mem>>)
    %dma_start3A_64 = arith.constant 0 : i32
    %dma_start3A_65 = tpu.memref_slice %arg11[%dma_start3A_64] : memref<16384xi8, #tpu.memory_space<vmem>> -> memref<2048xi8, #tpu.memory_space<vmem>>
    %dma_start3A_66 = tpu.memref_slice %arg4[%add3A_42] : memref<14680064xi8, #tpu.memory_space<hbm>> -> memref<2048xi8, #tpu.memory_space<hbm>>
    %dma_start3A_67 = arith.constant 0 : i32
    %dma_start3A_68 = tpu.memref_slice %arg11[%dma_start3A_67] : memref<16384xi8, #tpu.memory_space<vmem>> -> memref<2048xi8, #tpu.memory_space<vmem>>
    %dma_start3A_69 = tpu.memref_slice %arg4[%add3A_42] : memref<14680064xi8, #tpu.memory_space<hbm>> -> memref<2048xi8, #tpu.memory_space<hbm>>
    tpu.enqueue_dma source(%dma_start3A_69 : memref<2048xi8, #tpu.memory_space<hbm>>) target(%dma_start3A_68 : memref<2048xi8, #tpu.memory_space<vmem>>) target_semaphore(%arg19 : memref<!tpu.dma_semaphore, #tpu.memory_space<semaphore_mem>>)
    %dma_start3A_70 = arith.constant 2048 : i32
    %dma_start3A_71 = tpu.memref_slice %arg11[%dma_start3A_70] : memref<16384xi8, #tpu.memory_space<vmem>> -> memref<2048xi8, #tpu.memory_space<vmem>>
    %dma_start3A_72 = tpu.memref_slice %arg4[%add3A_44] : memref<14680064xi8, #tpu.memory_space<hbm>> -> memref<2048xi8, #tpu.memory_space<hbm>>
    %dma_start3A_73 = arith.constant 2048 : i32
    %dma_start3A_74 = tpu.memref_slice %arg11[%dma_start3A_73] : memref<16384xi8, #tpu.memory_space<vmem>> -> memref<2048xi8, #tpu.memory_space<vmem>>
    %dma_start3A_75 = tpu.memref_slice %arg4[%add3A_44] : memref<14680064xi8, #tpu.memory_space<hbm>> -> memref<2048xi8, #tpu.memory_space<hbm>>
    tpu.enqueue_dma source(%dma_start3A_75 : memref<2048xi8, #tpu.memory_space<hbm>>) target(%dma_start3A_74 : memref<2048xi8, #tpu.memory_space<vmem>>) target_semaphore(%arg19 : memref<!tpu.dma_semaphore, #tpu.memory_space<semaphore_mem>>)
    %dma_start3A_76 = arith.constant 4096 : i32
    %dma_start3A_77 = tpu.memref_slice %arg11[%dma_start3A_76] : memref<16384xi8, #tpu.memory_space<vmem>> -> memref<2048xi8, #tpu.memory_space<vmem>>
    %dma_start3A_78 = tpu.memref_slice %arg4[%add3A_46] : memref<14680064xi8, #tpu.memory_space<hbm>> -> memref<2048xi8, #tpu.memory_space<hbm>>
    %dma_start3A_79 = arith.constant 4096 : i32
    %dma_start3A_80 = tpu.memref_slice %arg11[%dma_start3A_79] : memref<16384xi8, #tpu.memory_space<vmem>> -> memref<2048xi8, #tpu.memory_space<vmem>>
    %dma_start3A_81 = tpu.memref_slice %arg4[%add3A_46] : memref<14680064xi8, #tpu.memory_space<hbm>> -> memref<2048xi8, #tpu.memory_space<hbm>>
    tpu.enqueue_dma source(%dma_start3A_81 : memref<2048xi8, #tpu.memory_space<hbm>>) target(%dma_start3A_80 : memref<2048xi8, #tpu.memory_space<vmem>>) target_semaphore(%arg19 : memref<!tpu.dma_semaphore, #tpu.memory_space<semaphore_mem>>)
    %dma_start3A_82 = arith.constant 6144 : i32
    %dma_start3A_83 = tpu.memref_slice %arg11[%dma_start3A_82] : memref<16384xi8, #tpu.memory_space<vmem>> -> memref<2048xi8, #tpu.memory_space<vmem>>
    %dma_start3A_84 = tpu.memref_slice %arg4[%add3A_48] : memref<14680064xi8, #tpu.memory_space<hbm>> -> memref<2048xi8, #tpu.memory_space<hbm>>
    %dma_start3A_85 = arith.constant 6144 : i32
    %dma_start3A_86 = tpu.memref_slice %arg11[%dma_start3A_85] : memref<16384xi8, #tpu.memory_space<vmem>> -> memref<2048xi8, #tpu.memory_space<vmem>>
    %dma_start3A_87 = tpu.memref_slice %arg4[%add3A_48] : memref<14680064xi8, #tpu.memory_space<hbm>> -> memref<2048xi8, #tpu.memory_space<hbm>>
    tpu.enqueue_dma source(%dma_start3A_87 : memref<2048xi8, #tpu.memory_space<hbm>>) target(%dma_start3A_86 : memref<2048xi8, #tpu.memory_space<vmem>>) target_semaphore(%arg19 : memref<!tpu.dma_semaphore, #tpu.memory_space<semaphore_mem>>)
    %dma_start3A_88 = arith.constant 8192 : i32
    %dma_start3A_89 = tpu.memref_slice %arg11[%dma_start3A_88] : memref<16384xi8, #tpu.memory_space<vmem>> -> memref<2048xi8, #tpu.memory_space<vmem>>
    %dma_start3A_90 = tpu.memref_slice %arg4[%add3A_50] : memref<14680064xi8, #tpu.memory_space<hbm>> -> memref<2048xi8, #tpu.memory_space<hbm>>
    %dma_start3A_91 = arith.constant 8192 : i32
    %dma_start3A_92 = tpu.memref_slice %arg11[%dma_start3A_91] : memref<16384xi8, #tpu.memory_space<vmem>> -> memref<2048xi8, #tpu.memory_space<vmem>>
    %dma_start3A_93 = tpu.memref_slice %arg4[%add3A_50] : memref<14680064xi8, #tpu.memory_space<hbm>> -> memref<2048xi8, #tpu.memory_space<hbm>>
    tpu.enqueue_dma source(%dma_start3A_93 : memref<2048xi8, #tpu.memory_space<hbm>>) target(%dma_start3A_92 : memref<2048xi8, #tpu.memory_space<vmem>>) target_semaphore(%arg19 : memref<!tpu.dma_semaphore, #tpu.memory_space<semaphore_mem>>)
    %dma_start3A_94 = arith.constant 10240 : i32
    %dma_start3A_95 = tpu.memref_slice %arg11[%dma_start3A_94] : memref<16384xi8, #tpu.memory_space<vmem>> -> memref<2048xi8, #tpu.memory_space<vmem>>
    %dma_start3A_96 = tpu.memref_slice %arg4[%add3A_52] : memref<14680064xi8, #tpu.memory_space<hbm>> -> memref<2048xi8, #tpu.memory_space<hbm>>
    %dma_start3A_97 = arith.constant 10240 : i32
    %dma_start3A_98 = tpu.memref_slice %arg11[%dma_start3A_97] : memref<16384xi8, #tpu.memory_space<vmem>> -> memref<2048xi8, #tpu.memory_space<vmem>>
    %dma_start3A_99 = tpu.memref_slice %arg4[%add3A_52] : memref<14680064xi8, #tpu.memory_space<hbm>> -> memref<2048xi8, #tpu.memory_space<hbm>>
    tpu.enqueue_dma source(%dma_start3A_99 : memref<2048xi8, #tpu.memory_space<hbm>>) target(%dma_start3A_98 : memref<2048xi8, #tpu.memory_space<vmem>>) target_semaphore(%arg19 : memref<!tpu.dma_semaphore, #tpu.memory_space<semaphore_mem>>)
    %dma_start3A_100 = arith.constant 12288 : i32
    %dma_start3A_101 = tpu.memref_slice %arg11[%dma_start3A_100] : memref<16384xi8, #tpu.memory_space<vmem>> -> memref<2048xi8, #tpu.memory_space<vmem>>
    %dma_start3A_102 = tpu.memref_slice %arg4[%add3A_54] : memref<14680064xi8, #tpu.memory_space<hbm>> -> memref<2048xi8, #tpu.memory_space<hbm>>
    %dma_start3A_103 = arith.constant 12288 : i32
    %dma_start3A_104 = tpu.memref_slice %arg11[%dma_start3A_103] : memref<16384xi8, #tpu.memory_space<vmem>> -> memref<2048xi8, #tpu.memory_space<vmem>>
    %dma_start3A_105 = tpu.memref_slice %arg4[%add3A_54] : memref<14680064xi8, #tpu.memory_space<hbm>> -> memref<2048xi8, #tpu.memory_space<hbm>>
    tpu.enqueue_dma source(%dma_start3A_105 : memref<2048xi8, #tpu.memory_space<hbm>>) target(%dma_start3A_104 : memref<2048xi8, #tpu.memory_space<vmem>>) target_semaphore(%arg19 : memref<!tpu.dma_semaphore, #tpu.memory_space<semaphore_mem>>)
    %dma_start3A_106 = arith.constant 14336 : i32
    %dma_start3A_107 = tpu.memref_slice %arg11[%dma_start3A_106] : memref<16384xi8, #tpu.memory_space<vmem>> -> memref<2048xi8, #tpu.memory_space<vmem>>
    %dma_start3A_108 = tpu.memref_slice %arg4[%add3A_56] : memref<14680064xi8, #tpu.memory_space<hbm>> -> memref<2048xi8, #tpu.memory_space<hbm>>
    %dma_start3A_109 = arith.constant 14336 : i32
    %dma_start3A_110 = tpu.memref_slice %arg11[%dma_start3A_109] : memref<16384xi8, #tpu.memory_space<vmem>> -> memref<2048xi8, #tpu.memory_space<vmem>>
    %dma_start3A_111 = tpu.memref_slice %arg4[%add3A_56] : memref<14680064xi8, #tpu.memory_space<hbm>> -> memref<2048xi8, #tpu.memory_space<hbm>>
    tpu.enqueue_dma source(%dma_start3A_111 : memref<2048xi8, #tpu.memory_space<hbm>>) target(%dma_start3A_110 : memref<2048xi8, #tpu.memory_space<vmem>>) target_semaphore(%arg19 : memref<!tpu.dma_semaphore, #tpu.memory_space<semaphore_mem>>)
    %scan3A = arith.constant 16843009 : i32
    %scan3A_112 = arith.constant 0 : i32
    %scan3A_113 = arith.constant 14 : i32
    %scan3A_114 = arith.addi %scan3A_112, %scan3A_113 : i32
    %scan3A_115 = arith.constant 1 : i32
    %scan3A_116:2 = scf.for %scan3A_121 = %scan3A_112 to %scan3A_114 step %scan3A_115 iter_args(%scan3A_122 = %broadcast_in_dim3A_31, %scan3A_123 = %broadcast_in_dim3A_33) -> (vector<16xf32>, vector<16xi32>)  : i32 {
      %mul3A_124 = arith.constant 2 : i32
      %mul3A_125 = arith.muli %scan3A_121, %mul3A_124 : i32
      %add3A_126 = arith.constant 1 : i32
      %add3A_127 = arith.addi %mul3A_125, %add3A_126 : i32
      %shift_right_arithmetic3A = arith.constant 1 : i32
      %shift_right_arithmetic3A_128 = arith.shrsi %add3A_127, %shift_right_arithmetic3A : i32
      %and3A = arith.constant 1 : i32
      %and3A_129 = arith.andi %add3A_127, %and3A : i32
      %mul3A_130 = arith.constant 2048 : i32
      %mul3A_131 = arith.muli %and3A_129, %mul3A_130 : i32
      %mul3A_132 = arith.constant 8 : i32
      %mul3A_133 = arith.muli %shift_right_arithmetic3A_128, %mul3A_132 : i32
      %add3A_134 = arith.addi %add3A_4, %mul3A_133 : i32
      %sub3A_135 = arith.constant 12800 : i32
      %sub3A_136 = arith.subi %add3A_134, %sub3A_135 : i32
      %mul3A_137 = arith.constant 4096 : i32
      %mul3A_138 = arith.muli %sub3A_136, %mul3A_137 : i32
      %add3A_139 = arith.addi %mul3A_138, %mul3A_131 : i32
      %add3A_140 = arith.constant 0 : i32
      %add3A_141 = arith.addi %add3A_139, %add3A_140 : i32
      %add3A_142 = arith.constant 4096 : i32
      %add3A_143 = arith.addi %add3A_139, %add3A_142 : i32
      %add3A_144 = arith.constant 8192 : i32
      %add3A_145 = arith.addi %add3A_139, %add3A_144 : i32
      %add3A_146 = arith.constant 12288 : i32
      %add3A_147 = arith.addi %add3A_139, %add3A_146 : i32
      %add3A_148 = arith.constant 16384 : i32
      %add3A_149 = arith.addi %add3A_139, %add3A_148 : i32
      %add3A_150 = arith.constant 20480 : i32
      %add3A_151 = arith.addi %add3A_139, %add3A_150 : i32
      %add3A_152 = arith.constant 24576 : i32
      %add3A_153 = arith.addi %add3A_139, %add3A_152 : i32
      %add3A_154 = arith.constant 28672 : i32
      %add3A_155 = arith.addi %add3A_139, %add3A_154 : i32
      %dma_start3A_156 = tpu.memref_slice %arg2[%add3A_134, %mul3A_131] : memref<16384x4096xf32, #tpu.memory_space<hbm>> -> memref<8x2048xf32, #tpu.memory_space<hbm>>
      %dma_start3A_157 = tpu.memref_slice %arg2[%add3A_134, %mul3A_131] : memref<16384x4096xf32, #tpu.memory_space<hbm>> -> memref<8x2048xf32, #tpu.memory_space<hbm>>
      tpu.enqueue_dma source(%dma_start3A_157 : memref<8x2048xf32, #tpu.memory_space<hbm>>) target(%arg8 : memref<8x2048xf32, #tpu.memory_space<vmem>>) target_semaphore(%arg16 : memref<!tpu.dma_semaphore, #tpu.memory_space<semaphore_mem>>)
      %dma_start3A_158 = tpu.memref_slice %arg3[%add3A_134, %mul3A_131] : memref<16384x4096xf32, #tpu.memory_space<hbm>> -> memref<8x2048xf32, #tpu.memory_space<hbm>>
      %dma_start3A_159 = tpu.memref_slice %arg3[%add3A_134, %mul3A_131] : memref<16384x4096xf32, #tpu.memory_space<hbm>> -> memref<8x2048xf32, #tpu.memory_space<hbm>>
      tpu.enqueue_dma source(%dma_start3A_159 : memref<8x2048xf32, #tpu.memory_space<hbm>>) target(%arg10 : memref<8x2048xf32, #tpu.memory_space<vmem>>) target_semaphore(%arg18 : memref<!tpu.dma_semaphore, #tpu.memory_space<semaphore_mem>>)
      %dma_start3A_160 = arith.constant 0 : i32
      %dma_start3A_161 = tpu.memref_slice %arg12[%dma_start3A_160] : memref<16384xi8, #tpu.memory_space<vmem>> -> memref<2048xi8, #tpu.memory_space<vmem>>
      %dma_start3A_162 = tpu.memref_slice %arg4[%add3A_141] : memref<14680064xi8, #tpu.memory_space<hbm>> -> memref<2048xi8, #tpu.memory_space<hbm>>
      %dma_start3A_163 = arith.constant 0 : i32
      %dma_start3A_164 = tpu.memref_slice %arg12[%dma_start3A_163] : memref<16384xi8, #tpu.memory_space<vmem>> -> memref<2048xi8, #tpu.memory_space<vmem>>
      %dma_start3A_165 = tpu.memref_slice %arg4[%add3A_141] : memref<14680064xi8, #tpu.memory_space<hbm>> -> memref<2048xi8, #tpu.memory_space<hbm>>
      tpu.enqueue_dma source(%dma_start3A_165 : memref<2048xi8, #tpu.memory_space<hbm>>) target(%dma_start3A_164 : memref<2048xi8, #tpu.memory_space<vmem>>) target_semaphore(%arg20 : memref<!tpu.dma_semaphore, #tpu.memory_space<semaphore_mem>>)
      %dma_start3A_166 = arith.constant 2048 : i32
      %dma_start3A_167 = tpu.memref_slice %arg12[%dma_start3A_166] : memref<16384xi8, #tpu.memory_space<vmem>> -> memref<2048xi8, #tpu.memory_space<vmem>>
      %dma_start3A_168 = tpu.memref_slice %arg4[%add3A_143] : memref<14680064xi8, #tpu.memory_space<hbm>> -> memref<2048xi8, #tpu.memory_space<hbm>>
      %dma_start3A_169 = arith.constant 2048 : i32
      %dma_start3A_170 = tpu.memref_slice %arg12[%dma_start3A_169] : memref<16384xi8, #tpu.memory_space<vmem>> -> memref<2048xi8, #tpu.memory_space<vmem>>
      %dma_start3A_171 = tpu.memref_slice %arg4[%add3A_143] : memref<14680064xi8, #tpu.memory_space<hbm>> -> memref<2048xi8, #tpu.memory_space<hbm>>
      tpu.enqueue_dma source(%dma_start3A_171 : memref<2048xi8, #tpu.memory_space<hbm>>) target(%dma_start3A_170 : memref<2048xi8, #tpu.memory_space<vmem>>) target_semaphore(%arg20 : memref<!tpu.dma_semaphore, #tpu.memory_space<semaphore_mem>>)
      %dma_start3A_172 = arith.constant 4096 : i32
      %dma_start3A_173 = tpu.memref_slice %arg12[%dma_start3A_172] : memref<16384xi8, #tpu.memory_space<vmem>> -> memref<2048xi8, #tpu.memory_space<vmem>>
      %dma_start3A_174 = tpu.memref_slice %arg4[%add3A_145] : memref<14680064xi8, #tpu.memory_space<hbm>> -> memref<2048xi8, #tpu.memory_space<hbm>>
      %dma_start3A_175 = arith.constant 4096 : i32
      %dma_start3A_176 = tpu.memref_slice %arg12[%dma_start3A_175] : memref<16384xi8, #tpu.memory_space<vmem>> -> memref<2048xi8, #tpu.memory_space<vmem>>
      %dma_start3A_177 = tpu.memref_slice %arg4[%add3A_145] : memref<14680064xi8, #tpu.memory_space<hbm>> -> memref<2048xi8, #tpu.memory_space<hbm>>
      tpu.enqueue_dma source(%dma_start3A_177 : memref<2048xi8, #tpu.memory_space<hbm>>) target(%dma_start3A_176 : memref<2048xi8, #tpu.memory_space<vmem>>) target_semaphore(%arg20 : memref<!tpu.dma_semaphore, #tpu.memory_space<semaphore_mem>>)
      %dma_start3A_178 = arith.constant 6144 : i32
      %dma_start3A_179 = tpu.memref_slice %arg12[%dma_start3A_178] : memref<16384xi8, #tpu.memory_space<vmem>> -> memref<2048xi8, #tpu.memory_space<vmem>>
      %dma_start3A_180 = tpu.memref_slice %arg4[%add3A_147] : memref<14680064xi8, #tpu.memory_space<hbm>> -> memref<2048xi8, #tpu.memory_space<hbm>>
      %dma_start3A_181 = arith.constant 6144 : i32
      %dma_start3A_182 = tpu.memref_slice %arg12[%dma_start3A_181] : memref<16384xi8, #tpu.memory_space<vmem>> -> memref<2048xi8, #tpu.memory_space<vmem>>
      %dma_start3A_183 = tpu.memref_slice %arg4[%add3A_147] : memref<14680064xi8, #tpu.memory_space<hbm>> -> memref<2048xi8, #tpu.memory_space<hbm>>
      tpu.enqueue_dma source(%dma_start3A_183 : memref<2048xi8, #tpu.memory_space<hbm>>) target(%dma_start3A_182 : memref<2048xi8, #tpu.memory_space<vmem>>) target_semaphore(%arg20 : memref<!tpu.dma_semaphore, #tpu.memory_space<semaphore_mem>>)
      %dma_start3A_184 = arith.constant 8192 : i32
      %dma_start3A_185 = tpu.memref_slice %arg12[%dma_start3A_184] : memref<16384xi8, #tpu.memory_space<vmem>> -> memref<2048xi8, #tpu.memory_space<vmem>>
      %dma_start3A_186 = tpu.memref_slice %arg4[%add3A_149] : memref<14680064xi8, #tpu.memory_space<hbm>> -> memref<2048xi8, #tpu.memory_space<hbm>>
      %dma_start3A_187 = arith.constant 8192 : i32
      %dma_start3A_188 = tpu.memref_slice %arg12[%dma_start3A_187] : memref<16384xi8, #tpu.memory_space<vmem>> -> memref<2048xi8, #tpu.memory_space<vmem>>
      %dma_start3A_189 = tpu.memref_slice %arg4[%add3A_149] : memref<14680064xi8, #tpu.memory_space<hbm>> -> memref<2048xi8, #tpu.memory_space<hbm>>
      tpu.enqueue_dma source(%dma_start3A_189 : memref<2048xi8, #tpu.memory_space<hbm>>) target(%dma_start3A_188 : memref<2048xi8, #tpu.memory_space<vmem>>) target_semaphore(%arg20 : memref<!tpu.dma_semaphore, #tpu.memory_space<semaphore_mem>>)
      %dma_start3A_190 = arith.constant 10240 : i32
      %dma_start3A_191 = tpu.memref_slice %arg12[%dma_start3A_190] : memref<16384xi8, #tpu.memory_space<vmem>> -> memref<2048xi8, #tpu.memory_space<vmem>>
      %dma_start3A_192 = tpu.memref_slice %arg4[%add3A_151] : memref<14680064xi8, #tpu.memory_space<hbm>> -> memref<2048xi8, #tpu.memory_space<hbm>>
      %dma_start3A_193 = arith.constant 10240 : i32
      %dma_start3A_194 = tpu.memref_slice %arg12[%dma_start3A_193] : memref<16384xi8, #tpu.memory_space<vmem>> -> memref<2048xi8, #tpu.memory_space<vmem>>
      %dma_start3A_195 = tpu.memref_slice %arg4[%add3A_151] : memref<14680064xi8, #tpu.memory_space<hbm>> -> memref<2048xi8, #tpu.memory_space<hbm>>
      tpu.enqueue_dma source(%dma_start3A_195 : memref<2048xi8, #tpu.memory_space<hbm>>) target(%dma_start3A_194 : memref<2048xi8, #tpu.memory_space<vmem>>) target_semaphore(%arg20 : memref<!tpu.dma_semaphore, #tpu.memory_space<semaphore_mem>>)
      %dma_start3A_196 = arith.constant 12288 : i32
      %dma_start3A_197 = tpu.memref_slice %arg12[%dma_start3A_196] : memref<16384xi8, #tpu.memory_space<vmem>> -> memref<2048xi8, #tpu.memory_space<vmem>>
      %dma_start3A_198 = tpu.memref_slice %arg4[%add3A_153] : memref<14680064xi8, #tpu.memory_space<hbm>> -> memref<2048xi8, #tpu.memory_space<hbm>>
      %dma_start3A_199 = arith.constant 12288 : i32
      %dma_start3A_200 = tpu.memref_slice %arg12[%dma_start3A_199] : memref<16384xi8, #tpu.memory_space<vmem>> -> memref<2048xi8, #tpu.memory_space<vmem>>
      %dma_start3A_201 = tpu.memref_slice %arg4[%add3A_153] : memref<14680064xi8, #tpu.memory_space<hbm>> -> memref<2048xi8, #tpu.memory_space<hbm>>
      tpu.enqueue_dma source(%dma_start3A_201 : memref<2048xi8, #tpu.memory_space<hbm>>) target(%dma_start3A_200 : memref<2048xi8, #tpu.memory_space<vmem>>) target_semaphore(%arg20 : memref<!tpu.dma_semaphore, #tpu.memory_space<semaphore_mem>>)
      %dma_start3A_202 = arith.constant 14336 : i32
      %dma_start3A_203 = tpu.memref_slice %arg12[%dma_start3A_202] : memref<16384xi8, #tpu.memory_space<vmem>> -> memref<2048xi8, #tpu.memory_space<vmem>>
      %dma_start3A_204 = tpu.memref_slice %arg4[%add3A_155] : memref<14680064xi8, #tpu.memory_space<hbm>> -> memref<2048xi8, #tpu.memory_space<hbm>>
      %dma_start3A_205 = arith.constant 14336 : i32
      %dma_start3A_206 = tpu.memref_slice %arg12[%dma_start3A_205] : memref<16384xi8, #tpu.memory_space<vmem>> -> memref<2048xi8, #tpu.memory_space<vmem>>
      %dma_start3A_207 = tpu.memref_slice %arg4[%add3A_155] : memref<14680064xi8, #tpu.memory_space<hbm>> -> memref<2048xi8, #tpu.memory_space<hbm>>
      tpu.enqueue_dma source(%dma_start3A_207 : memref<2048xi8, #tpu.memory_space<hbm>>) target(%dma_start3A_206 : memref<2048xi8, #tpu.memory_space<vmem>>) target_semaphore(%arg20 : memref<!tpu.dma_semaphore, #tpu.memory_space<semaphore_mem>>)
      %shift_right_arithmetic3A_208 = arith.constant 1 : i32
      %shift_right_arithmetic3A_209 = arith.shrsi %mul3A_125, %shift_right_arithmetic3A_208 : i32
      %and3A_210 = arith.constant 1 : i32
      %and3A_211 = arith.andi %mul3A_125, %and3A_210 : i32
      %mul3A_212 = arith.constant 2048 : i32
      %mul3A_213 = arith.muli %and3A_211, %mul3A_212 : i32
      %mul3A_214 = arith.constant 8 : i32
      %mul3A_215 = arith.muli %shift_right_arithmetic3A_209, %mul3A_214 : i32
      %add3A_216 = arith.addi %add3A_4, %mul3A_215 : i32
      %sub3A_217 = arith.constant 12800 : i32
      %sub3A_218 = arith.subi %add3A_216, %sub3A_217 : i32
      %mul3A_219 = arith.constant 4096 : i32
      %mul3A_220 = arith.muli %sub3A_218, %mul3A_219 : i32
      %add3A_221 = arith.addi %mul3A_220, %mul3A_213 : i32
      %add3A_222 = arith.constant 0 : i32
      %add3A_223 = arith.addi %add3A_221, %add3A_222 : i32
      %add3A_224 = arith.constant 4096 : i32
      %add3A_225 = arith.addi %add3A_221, %add3A_224 : i32
      %add3A_226 = arith.constant 8192 : i32
      %add3A_227 = arith.addi %add3A_221, %add3A_226 : i32
      %add3A_228 = arith.constant 12288 : i32
      %add3A_229 = arith.addi %add3A_221, %add3A_228 : i32
      %add3A_230 = arith.constant 16384 : i32
      %add3A_231 = arith.addi %add3A_221, %add3A_230 : i32
      %add3A_232 = arith.constant 20480 : i32
      %add3A_233 = arith.addi %add3A_221, %add3A_232 : i32
      %add3A_234 = arith.constant 24576 : i32
      %add3A_235 = arith.addi %add3A_221, %add3A_234 : i32
      %add3A_236 = arith.constant 28672 : i32
      %add3A_237 = arith.addi %add3A_221, %add3A_236 : i32
      %dma_wait3A = tpu.memref_slice %arg2[%add3A_216, %mul3A_213] : memref<16384x4096xf32, #tpu.memory_space<hbm>> -> memref<8x2048xf32, #tpu.memory_space<hbm>>
      %dma_wait3A_238 = tpu.memref_slice %arg2[%add3A_216, %mul3A_213] : memref<16384x4096xf32, #tpu.memory_space<hbm>> -> memref<8x2048xf32, #tpu.memory_space<hbm>>
      tpu.wait_dma2 semaphore(%arg15 : memref<!tpu.dma_semaphore, #tpu.memory_space<semaphore_mem>>) src(%dma_wait3A_238 : memref<8x2048xf32, #tpu.memory_space<hbm>>) dst(%arg7 : memref<8x2048xf32, #tpu.memory_space<vmem>>)
      %dma_wait3A_239 = tpu.memref_slice %arg3[%add3A_216, %mul3A_213] : memref<16384x4096xf32, #tpu.memory_space<hbm>> -> memref<8x2048xf32, #tpu.memory_space<hbm>>
      %dma_wait3A_240 = tpu.memref_slice %arg3[%add3A_216, %mul3A_213] : memref<16384x4096xf32, #tpu.memory_space<hbm>> -> memref<8x2048xf32, #tpu.memory_space<hbm>>
      tpu.wait_dma2 semaphore(%arg17 : memref<!tpu.dma_semaphore, #tpu.memory_space<semaphore_mem>>) src(%dma_wait3A_240 : memref<8x2048xf32, #tpu.memory_space<hbm>>) dst(%arg9 : memref<8x2048xf32, #tpu.memory_space<vmem>>)
      %dma_wait3A_241 = arith.constant 0 : i32
      %dma_wait3A_242 = tpu.memref_slice %arg11[%dma_wait3A_241] : memref<16384xi8, #tpu.memory_space<vmem>> -> memref<2048xi8, #tpu.memory_space<vmem>>
      %dma_wait3A_243 = tpu.memref_slice %arg4[%add3A_223] : memref<14680064xi8, #tpu.memory_space<hbm>> -> memref<2048xi8, #tpu.memory_space<hbm>>
      %dma_wait3A_244 = arith.constant 0 : i32
      %dma_wait3A_245 = tpu.memref_slice %arg11[%dma_wait3A_244] : memref<16384xi8, #tpu.memory_space<vmem>> -> memref<2048xi8, #tpu.memory_space<vmem>>
      %dma_wait3A_246 = tpu.memref_slice %arg4[%add3A_223] : memref<14680064xi8, #tpu.memory_space<hbm>> -> memref<2048xi8, #tpu.memory_space<hbm>>
      tpu.wait_dma2 semaphore(%arg19 : memref<!tpu.dma_semaphore, #tpu.memory_space<semaphore_mem>>) src(%dma_wait3A_246 : memref<2048xi8, #tpu.memory_space<hbm>>) dst(%dma_wait3A_245 : memref<2048xi8, #tpu.memory_space<vmem>>)
      %dma_wait3A_247 = arith.constant 2048 : i32
      %dma_wait3A_248 = tpu.memref_slice %arg11[%dma_wait3A_247] : memref<16384xi8, #tpu.memory_space<vmem>> -> memref<2048xi8, #tpu.memory_space<vmem>>
      %dma_wait3A_249 = tpu.memref_slice %arg4[%add3A_225] : memref<14680064xi8, #tpu.memory_space<hbm>> -> memref<2048xi8, #tpu.memory_space<hbm>>
      %dma_wait3A_250 = arith.constant 2048 : i32
      %dma_wait3A_251 = tpu.memref_slice %arg11[%dma_wait3A_250] : memref<16384xi8, #tpu.memory_space<vmem>> -> memref<2048xi8, #tpu.memory_space<vmem>>
      %dma_wait3A_252 = tpu.memref_slice %arg4[%add3A_225] : memref<14680064xi8, #tpu.memory_space<hbm>> -> memref<2048xi8, #tpu.memory_space<hbm>>
      tpu.wait_dma2 semaphore(%arg19 : memref<!tpu.dma_semaphore, #tpu.memory_space<semaphore_mem>>) src(%dma_wait3A_252 : memref<2048xi8, #tpu.memory_space<hbm>>) dst(%dma_wait3A_251 : memref<2048xi8, #tpu.memory_space<vmem>>)
      %dma_wait3A_253 = arith.constant 4096 : i32
      %dma_wait3A_254 = tpu.memref_slice %arg11[%dma_wait3A_253] : memref<16384xi8, #tpu.memory_space<vmem>> -> memref<2048xi8, #tpu.memory_space<vmem>>
      %dma_wait3A_255 = tpu.memref_slice %arg4[%add3A_227] : memref<14680064xi8, #tpu.memory_space<hbm>> -> memref<2048xi8, #tpu.memory_space<hbm>>
      %dma_wait3A_256 = arith.constant 4096 : i32
      %dma_wait3A_257 = tpu.memref_slice %arg11[%dma_wait3A_256] : memref<16384xi8, #tpu.memory_space<vmem>> -> memref<2048xi8, #tpu.memory_space<vmem>>
      %dma_wait3A_258 = tpu.memref_slice %arg4[%add3A_227] : memref<14680064xi8, #tpu.memory_space<hbm>> -> memref<2048xi8, #tpu.memory_space<hbm>>
      tpu.wait_dma2 semaphore(%arg19 : memref<!tpu.dma_semaphore, #tpu.memory_space<semaphore_mem>>) src(%dma_wait3A_258 : memref<2048xi8, #tpu.memory_space<hbm>>) dst(%dma_wait3A_257 : memref<2048xi8, #tpu.memory_space<vmem>>)
      %dma_wait3A_259 = arith.constant 6144 : i32
      %dma_wait3A_260 = tpu.memref_slice %arg11[%dma_wait3A_259] : memref<16384xi8, #tpu.memory_space<vmem>> -> memref<2048xi8, #tpu.memory_space<vmem>>
      %dma_wait3A_261 = tpu.memref_slice %arg4[%add3A_229] : memref<14680064xi8, #tpu.memory_space<hbm>> -> memref<2048xi8, #tpu.memory_space<hbm>>
      %dma_wait3A_262 = arith.constant 6144 : i32
      %dma_wait3A_263 = tpu.memref_slice %arg11[%dma_wait3A_262] : memref<16384xi8, #tpu.memory_space<vmem>> -> memref<2048xi8, #tpu.memory_space<vmem>>
      %dma_wait3A_264 = tpu.memref_slice %arg4[%add3A_229] : memref<14680064xi8, #tpu.memory_space<hbm>> -> memref<2048xi8, #tpu.memory_space<hbm>>
      tpu.wait_dma2 semaphore(%arg19 : memref<!tpu.dma_semaphore, #tpu.memory_space<semaphore_mem>>) src(%dma_wait3A_264 : memref<2048xi8, #tpu.memory_space<hbm>>) dst(%dma_wait3A_263 : memref<2048xi8, #tpu.memory_space<vmem>>)
      %dma_wait3A_265 = arith.constant 8192 : i32
      %dma_wait3A_266 = tpu.memref_slice %arg11[%dma_wait3A_265] : memref<16384xi8, #tpu.memory_space<vmem>> -> memref<2048xi8, #tpu.memory_space<vmem>>
      %dma_wait3A_267 = tpu.memref_slice %arg4[%add3A_231] : memref<14680064xi8, #tpu.memory_space<hbm>> -> memref<2048xi8, #tpu.memory_space<hbm>>
      %dma_wait3A_268 = arith.constant 8192 : i32
      %dma_wait3A_269 = tpu.memref_slice %arg11[%dma_wait3A_268] : memref<16384xi8, #tpu.memory_space<vmem>> -> memref<2048xi8, #tpu.memory_space<vmem>>
      %dma_wait3A_270 = tpu.memref_slice %arg4[%add3A_231] : memref<14680064xi8, #tpu.memory_space<hbm>> -> memref<2048xi8, #tpu.memory_space<hbm>>
      tpu.wait_dma2 semaphore(%arg19 : memref<!tpu.dma_semaphore, #tpu.memory_space<semaphore_mem>>) src(%dma_wait3A_270 : memref<2048xi8, #tpu.memory_space<hbm>>) dst(%dma_wait3A_269 : memref<2048xi8, #tpu.memory_space<vmem>>)
      %dma_wait3A_271 = arith.constant 10240 : i32
      %dma_wait3A_272 = tpu.memref_slice %arg11[%dma_wait3A_271] : memref<16384xi8, #tpu.memory_space<vmem>> -> memref<2048xi8, #tpu.memory_space<vmem>>
      %dma_wait3A_273 = tpu.memref_slice %arg4[%add3A_233] : memref<14680064xi8, #tpu.memory_space<hbm>> -> memref<2048xi8, #tpu.memory_space<hbm>>
      %dma_wait3A_274 = arith.constant 10240 : i32
      %dma_wait3A_275 = tpu.memref_slice %arg11[%dma_wait3A_274] : memref<16384xi8, #tpu.memory_space<vmem>> -> memref<2048xi8, #tpu.memory_space<vmem>>
      %dma_wait3A_276 = tpu.memref_slice %arg4[%add3A_233] : memref<14680064xi8, #tpu.memory_space<hbm>> -> memref<2048xi8, #tpu.memory_space<hbm>>
      tpu.wait_dma2 semaphore(%arg19 : memref<!tpu.dma_semaphore, #tpu.memory_space<semaphore_mem>>) src(%dma_wait3A_276 : memref<2048xi8, #tpu.memory_space<hbm>>) dst(%dma_wait3A_275 : memref<2048xi8, #tpu.memory_space<vmem>>)
      %dma_wait3A_277 = arith.constant 12288 : i32
      %dma_wait3A_278 = tpu.memref_slice %arg11[%dma_wait3A_277] : memref<16384xi8, #tpu.memory_space<vmem>> -> memref<2048xi8, #tpu.memory_space<vmem>>
      %dma_wait3A_279 = tpu.memref_slice %arg4[%add3A_235] : memref<14680064xi8, #tpu.memory_space<hbm>> -> memref<2048xi8, #tpu.memory_space<hbm>>
      %dma_wait3A_280 = arith.constant 12288 : i32
      %dma_wait3A_281 = tpu.memref_slice %arg11[%dma_wait3A_280] : memref<16384xi8, #tpu.memory_space<vmem>> -> memref<2048xi8, #tpu.memory_space<vmem>>
      %dma_wait3A_282 = tpu.memref_slice %arg4[%add3A_235] : memref<14680064xi8, #tpu.memory_space<hbm>> -> memref<2048xi8, #tpu.memory_space<hbm>>
      tpu.wait_dma2 semaphore(%arg19 : memref<!tpu.dma_semaphore, #tpu.memory_space<semaphore_mem>>) src(%dma_wait3A_282 : memref<2048xi8, #tpu.memory_space<hbm>>) dst(%dma_wait3A_281 : memref<2048xi8, #tpu.memory_space<vmem>>)
      %dma_wait3A_283 = arith.constant 14336 : i32
      %dma_wait3A_284 = tpu.memref_slice %arg11[%dma_wait3A_283] : memref<16384xi8, #tpu.memory_space<vmem>> -> memref<2048xi8, #tpu.memory_space<vmem>>
      %dma_wait3A_285 = tpu.memref_slice %arg4[%add3A_237] : memref<14680064xi8, #tpu.memory_space<hbm>> -> memref<2048xi8, #tpu.memory_space<hbm>>
      %dma_wait3A_286 = arith.constant 14336 : i32
      %dma_wait3A_287 = tpu.memref_slice %arg11[%dma_wait3A_286] : memref<16384xi8, #tpu.memory_space<vmem>> -> memref<2048xi8, #tpu.memory_space<vmem>>
      %dma_wait3A_288 = tpu.memref_slice %arg4[%add3A_237] : memref<14680064xi8, #tpu.memory_space<hbm>> -> memref<2048xi8, #tpu.memory_space<hbm>>
      tpu.wait_dma2 semaphore(%arg19 : memref<!tpu.dma_semaphore, #tpu.memory_space<semaphore_mem>>) src(%dma_wait3A_288 : memref<2048xi8, #tpu.memory_space<hbm>>) dst(%dma_wait3A_287 : memref<2048xi8, #tpu.memory_space<vmem>>)
      %scan3A_289 = arith.constant 0 : i32
      %scan3A_290 = arith.constant 256 : i32
      %scan3A_291 = arith.addi %scan3A_289, %scan3A_290 : i32
      %scan3A_292 = arith.constant 1 : i32
      %scan3A_293:2 = scf.for %scan3A_389 = %scan3A_289 to %scan3A_291 step %scan3A_292 iter_args(%scan3A_390 = %scan3A_122, %scan3A_391 = %scan3A_123) -> (vector<16xf32>, vector<16xi32>)  : i32 {
        %mul3A_392 = arith.constant 64 : i32
        %mul3A_393 = arith.muli %scan3A_389, %mul3A_392 : i32
        %get3A = arith.index_cast %mul3A_393 : i32 to index
        %get3A_394 = tpu.vector_load %arg11[%get3A] {strides = array<i32>} : memref<16384xi8, #tpu.memory_space<vmem>>, vector<64xi8>,
        %bitcast3A = vector.bitcast %get3A_394 : vector<64xi8> to vector<16xi32>
        %and3A_395 = vector.broadcast %scan3A : i32 to vector<16xi32>
        %and3A_396 = arith.andi %bitcast3A, %and3A_395 : vector<16xi32>
        %mul3A_397 = vector.broadcast %scan3A : i32 to vector<16xi32>
        %mul3A_398 = arith.muli %and3A_396, %mul3A_397 : vector<16xi32>
        %shift_right_arithmetic3A_399 = arith.constant 24 : i32
        %shift_right_arithmetic3A_400 = vector.broadcast %shift_right_arithmetic3A_399 : i32 to vector<16xi32>
        %shift_right_arithmetic3A_401 = arith.shrsi %mul3A_398, %shift_right_arithmetic3A_400 : vector<16xi32>
        %add3A_402 = arith.addi %scan3A_391, %shift_right_arithmetic3A_401 : vector<16xi32>
        %shift_right_arithmetic3A_403 = arith.constant 5 : i32
        %shift_right_arithmetic3A_404 = arith.shrsi %scan3A_389, %shift_right_arithmetic3A_403 : i32
        %add3A_405 = vector.broadcast %shift_right_arithmetic3A_404 : i32 to vector<16xi32>
        %add3A_406 = arith.addi %broadcast_in_dim3A_29, %add3A_405 : vector<16xi32>
        %and3A_407 = arith.constant 31 : i32
        %and3A_408 = arith.andi %scan3A_389, %and3A_407 : i32
        %mul3A_409 = arith.constant 64 : i32
        %mul3A_410 = arith.muli %and3A_408, %mul3A_409 : i32
        %and3A_411 = arith.constant 1 : i32
        %and3A_412 = vector.broadcast %and3A_411 : i32 to vector<16xi32>
        %and3A_413 = arith.andi %bitcast3A, %and3A_412 : vector<16xi32>
        %eq3A = arith.constant 0 : i32
        %eq3A_414 = vector.broadcast %eq3A : i32 to vector<16xi32>
        %eq3A_415 = arith.cmpi eq, %and3A_413, %eq3A_414 : vector<16xi32>
        %add3A_416 = vector.broadcast %mul3A_410 : i32 to vector<16xi32>
        %add3A_417 = arith.addi %add3A_10, %add3A_416 : vector<16xi32>
        %gather3A = tpu.vector_load_idx %arg7[%add3A_406, %add3A_417] : memref<8x2048xf32, #tpu.memory_space<vmem>>[vector<16xi32>, vector<16xi32>], vector<16xf32>,
        %gather3A_418 = tpu.vector_load_idx %arg9[%add3A_406, %add3A_417] : memref<8x2048xf32, #tpu.memory_space<vmem>>[vector<16xi32>, vector<16xi32>], vector<16xf32>,
        %sub3A_419 = arith.subf %gather3A, %gather3A_418 : vector<16xf32>
        %mul3A_420 = arith.mulf %sub3A_419, %sub3A_419 : vector<16xf32>
        %jit3A = arith.constant 0.000000e+00 : f32
        %broadcast_in_dim3A_421 = vector.broadcast %jit3A : f32 to vector<16xf32>
        %select_n3A = arith.select %eq3A_415, %mul3A_420, %broadcast_in_dim3A_421 : vector<16xi1>, vector<16xf32>
        %add3A_422 = arith.addf %scan3A_390, %select_n3A : vector<16xf32>
        %shift_right_arithmetic3A_423 = arith.constant 8 : i32
        %shift_right_arithmetic3A_424 = vector.broadcast %shift_right_arithmetic3A_423 : i32 to vector<16xi32>
        %shift_right_arithmetic3A_425 = arith.shrsi %bitcast3A, %shift_right_arithmetic3A_424 : vector<16xi32>
        %and3A_426 = arith.constant 1 : i32
        %and3A_427 = vector.broadcast %and3A_426 : i32 to vector<16xi32>
        %and3A_428 = arith.andi %shift_right_arithmetic3A_425, %and3A_427 : vector<16xi32>
        %eq3A_429 = arith.constant 0 : i32
        %eq3A_430 = vector.broadcast %eq3A_429 : i32 to vector<16xi32>
        %eq3A_431 = arith.cmpi eq, %and3A_428, %eq3A_430 : vector<16xi32>
        %add3A_432 = vector.broadcast %mul3A_410 : i32 to vector<16xi32>
        %add3A_433 = arith.addi %add3A_16, %add3A_432 : vector<16xi32>
        %gather3A_434 = tpu.vector_load_idx %arg7[%add3A_406, %add3A_433] : memref<8x2048xf32, #tpu.memory_space<vmem>>[vector<16xi32>, vector<16xi32>], vector<16xf32>,
        %gather3A_435 = tpu.vector_load_idx %arg9[%add3A_406, %add3A_433] : memref<8x2048xf32, #tpu.memory_space<vmem>>[vector<16xi32>, vector<16xi32>], vector<16xf32>,
        %sub3A_436 = arith.subf %gather3A_434, %gather3A_435 : vector<16xf32>
        %mul3A_437 = arith.mulf %sub3A_436, %sub3A_436 : vector<16xf32>
        %jit3A_438 = arith.constant 0.000000e+00 : f32
        %broadcast_in_dim3A_439 = vector.broadcast %jit3A_438 : f32 to vector<16xf32>
        %select_n3A_440 = arith.select %eq3A_431, %mul3A_437, %broadcast_in_dim3A_439 : vector<16xi1>, vector<16xf32>
        %add3A_441 = arith.addf %add3A_422, %select_n3A_440 : vector<16xf32>
        %shift_right_arithmetic3A_442 = arith.constant 16 : i32
        %shift_right_arithmetic3A_443 = vector.broadcast %shift_right_arithmetic3A_442 : i32 to vector<16xi32>
        %shift_right_arithmetic3A_444 = arith.shrsi %bitcast3A, %shift_right_arithmetic3A_443 : vector<16xi32>
        %and3A_445 = arith.constant 1 : i32
        %and3A_446 = vector.broadcast %and3A_445 : i32 to vector<16xi32>
        %and3A_447 = arith.andi %shift_right_arithmetic3A_444, %and3A_446 : vector<16xi32>
        %eq3A_448 = arith.constant 0 : i32
        %eq3A_449 = vector.broadcast %eq3A_448 : i32 to vector<16xi32>
        %eq3A_450 = arith.cmpi eq, %and3A_447, %eq3A_449 : vector<16xi32>
        %add3A_451 = vector.broadcast %mul3A_410 : i32 to vector<16xi32>
        %add3A_452 = arith.addi %add3A_22, %add3A_451 : vector<16xi32>
        %gather3A_453 = tpu.vector_load_idx %arg7[%add3A_406, %add3A_452] : memref<8x2048xf32, #tpu.memory_space<vmem>>[vector<16xi32>, vector<16xi32>], vector<16xf32>,
        %gather3A_454 = tpu.vector_load_idx %arg9[%add3A_406, %add3A_452] : memref<8x2048xf32, #tpu.memory_space<vmem>>[vector<16xi32>, vector<16xi32>], vector<16xf32>,
        %sub3A_455 = arith.subf %gather3A_453, %gather3A_454 : vector<16xf32>
        %mul3A_456 = arith.mulf %sub3A_455, %sub3A_455 : vector<16xf32>
        %jit3A_457 = arith.constant 0.000000e+00 : f32
        %broadcast_in_dim3A_458 = vector.broadcast %jit3A_457 : f32 to vector<16xf32>
        %select_n3A_459 = arith.select %eq3A_450, %mul3A_456, %broadcast_in_dim3A_458 : vector<16xi1>, vector<16xf32>
        %add3A_460 = arith.addf %add3A_441, %select_n3A_459 : vector<16xf32>
        %shift_right_arithmetic3A_461 = arith.constant 24 : i32
        %shift_right_arithmetic3A_462 = vector.broadcast %shift_right_arithmetic3A_461 : i32 to vector<16xi32>
        %shift_right_arithmetic3A_463 = arith.shrsi %bitcast3A, %shift_right_arithmetic3A_462 : vector<16xi32>
        %and3A_464 = arith.constant 1 : i32
        %and3A_465 = vector.broadcast %and3A_464 : i32 to vector<16xi32>
        %and3A_466 = arith.andi %shift_right_arithmetic3A_463, %and3A_465 : vector<16xi32>
        %eq3A_467 = arith.constant 0 : i32
        %eq3A_468 = vector.broadcast %eq3A_467 : i32 to vector<16xi32>
        %eq3A_469 = arith.cmpi eq, %and3A_466, %eq3A_468 : vector<16xi32>
        %add3A_470 = vector.broadcast %mul3A_410 : i32 to vector<16xi32>
        %add3A_471 = arith.addi %add3A_28, %add3A_470 : vector<16xi32>
        %gather3A_472 = tpu.vector_load_idx %arg7[%add3A_406, %add3A_471] : memref<8x2048xf32, #tpu.memory_space<vmem>>[vector<16xi32>, vector<16xi32>], vector<16xf32>,
        %gather3A_473 = tpu.vector_load_idx %arg9[%add3A_406, %add3A_471] : memref<8x2048xf32, #tpu.memory_space<vmem>>[vector<16xi32>, vector<16xi32>], vector<16xf32>,
        %sub3A_474 = arith.subf %gather3A_472, %gather3A_473 : vector<16xf32>
        %mul3A_475 = arith.mulf %sub3A_474, %sub3A_474 : vector<16xf32>
        %jit3A_476 = arith.constant 0.000000e+00 : f32
        %broadcast_in_dim3A_477 = vector.broadcast %jit3A_476 : f32 to vector<16xf32>
        %select_n3A_478 = arith.select %eq3A_469, %mul3A_475, %broadcast_in_dim3A_477 : vector<16xi1>, vector<16xf32>
        %add3A_479 = arith.addf %add3A_460, %select_n3A_478 : vector<16xf32>
        scf.yield %add3A_479, %add3A_402 : vector<16xf32>, vector<16xi32>
      }
      %scan3A_294 = arith.constant 256 : i32
      %add3A_295 = arith.constant 2 : i32
      %add3A_296 = arith.addi %mul3A_125, %add3A_295 : i32
      %lt3A = arith.constant 28 : i32
      %lt3A_297 = arith.cmpi slt, %add3A_296, %lt3A : i32
      %convert_element_type3A = arith.extui %lt3A_297 : i1 to i32
      %cond3A = arith.constant 0 : i32
      %cond3A_298 = arith.cmpi ne, %convert_element_type3A, %cond3A : i32
      scf.if %cond3A_298 {
        %add3A_389 = arith.constant 2 : i32
        %add3A_390 = arith.addi %mul3A_125, %add3A_389 : i32
        %shift_right_arithmetic3A_391 = arith.constant 1 : i32
        %shift_right_arithmetic3A_392 = arith.shrsi %add3A_390, %shift_right_arithmetic3A_391 : i32
        %and3A_393 = arith.constant 1 : i32
        %and3A_394 = arith.andi %add3A_390, %and3A_393 : i32
        %mul3A_395 = arith.constant 2048 : i32
        %mul3A_396 = arith.muli %and3A_394, %mul3A_395 : i32
        %mul3A_397 = arith.constant 8 : i32
        %mul3A_398 = arith.muli %shift_right_arithmetic3A_392, %mul3A_397 : i32
        %add3A_399 = arith.addi %add3A_4, %mul3A_398 : i32
        %sub3A_400 = arith.constant 12800 : i32
        %sub3A_401 = arith.subi %add3A_399, %sub3A_400 : i32
        %mul3A_402 = arith.constant 4096 : i32
        %mul3A_403 = arith.muli %sub3A_401, %mul3A_402 : i32
        %add3A_404 = arith.addi %mul3A_403, %mul3A_396 : i32
        %add3A_405 = arith.constant 0 : i32
        %add3A_406 = arith.addi %add3A_404, %add3A_405 : i32
        %add3A_407 = arith.constant 4096 : i32
        %add3A_408 = arith.addi %add3A_404, %add3A_407 : i32
        %add3A_409 = arith.constant 8192 : i32
        %add3A_410 = arith.addi %add3A_404, %add3A_409 : i32
        %add3A_411 = arith.constant 12288 : i32
        %add3A_412 = arith.addi %add3A_404, %add3A_411 : i32
        %add3A_413 = arith.constant 16384 : i32
        %add3A_414 = arith.addi %add3A_404, %add3A_413 : i32
        %add3A_415 = arith.constant 20480 : i32
        %add3A_416 = arith.addi %add3A_404, %add3A_415 : i32
        %add3A_417 = arith.constant 24576 : i32
        %add3A_418 = arith.addi %add3A_404, %add3A_417 : i32
        %add3A_419 = arith.constant 28672 : i32
        %add3A_420 = arith.addi %add3A_404, %add3A_419 : i32
        %dma_start3A_421 = tpu.memref_slice %arg2[%add3A_399, %mul3A_396] : memref<16384x4096xf32, #tpu.memory_space<hbm>> -> memref<8x2048xf32, #tpu.memory_space<hbm>>
        %dma_start3A_422 = tpu.memref_slice %arg2[%add3A_399, %mul3A_396] : memref<16384x4096xf32, #tpu.memory_space<hbm>> -> memref<8x2048xf32, #tpu.memory_space<hbm>>
        tpu.enqueue_dma source(%dma_start3A_422 : memref<8x2048xf32, #tpu.memory_space<hbm>>) target(%arg7 : memref<8x2048xf32, #tpu.memory_space<vmem>>) target_semaphore(%arg15 : memref<!tpu.dma_semaphore, #tpu.memory_space<semaphore_mem>>)
        %dma_start3A_423 = tpu.memref_slice %arg3[%add3A_399, %mul3A_396] : memref<16384x4096xf32, #tpu.memory_space<hbm>> -> memref<8x2048xf32, #tpu.memory_space<hbm>>
        %dma_start3A_424 = tpu.memref_slice %arg3[%add3A_399, %mul3A_396] : memref<16384x4096xf32, #tpu.memory_space<hbm>> -> memref<8x2048xf32, #tpu.memory_space<hbm>>
        tpu.enqueue_dma source(%dma_start3A_424 : memref<8x2048xf32, #tpu.memory_space<hbm>>) target(%arg9 : memref<8x2048xf32, #tpu.memory_space<vmem>>) target_semaphore(%arg17 : memref<!tpu.dma_semaphore, #tpu.memory_space<semaphore_mem>>)
        %dma_start3A_425 = arith.constant 0 : i32
        %dma_start3A_426 = tpu.memref_slice %arg11[%dma_start3A_425] : memref<16384xi8, #tpu.memory_space<vmem>> -> memref<2048xi8, #tpu.memory_space<vmem>>
        %dma_start3A_427 = tpu.memref_slice %arg4[%add3A_406] : memref<14680064xi8, #tpu.memory_space<hbm>> -> memref<2048xi8, #tpu.memory_space<hbm>>
        %dma_start3A_428 = arith.constant 0 : i32
        %dma_start3A_429 = tpu.memref_slice %arg11[%dma_start3A_428] : memref<16384xi8, #tpu.memory_space<vmem>> -> memref<2048xi8, #tpu.memory_space<vmem>>
        %dma_start3A_430 = tpu.memref_slice %arg4[%add3A_406] : memref<14680064xi8, #tpu.memory_space<hbm>> -> memref<2048xi8, #tpu.memory_space<hbm>>
        tpu.enqueue_dma source(%dma_start3A_430 : memref<2048xi8, #tpu.memory_space<hbm>>) target(%dma_start3A_429 : memref<2048xi8, #tpu.memory_space<vmem>>) target_semaphore(%arg19 : memref<!tpu.dma_semaphore, #tpu.memory_space<semaphore_mem>>)
        %dma_start3A_431 = arith.constant 2048 : i32
        %dma_start3A_432 = tpu.memref_slice %arg11[%dma_start3A_431] : memref<16384xi8, #tpu.memory_space<vmem>> -> memref<2048xi8, #tpu.memory_space<vmem>>
        %dma_start3A_433 = tpu.memref_slice %arg4[%add3A_408] : memref<14680064xi8, #tpu.memory_space<hbm>> -> memref<2048xi8, #tpu.memory_space<hbm>>
        %dma_start3A_434 = arith.constant 2048 : i32
        %dma_start3A_435 = tpu.memref_slice %arg11[%dma_start3A_434] : memref<16384xi8, #tpu.memory_space<vmem>> -> memref<2048xi8, #tpu.memory_space<vmem>>
        %dma_start3A_436 = tpu.memref_slice %arg4[%add3A_408] : memref<14680064xi8, #tpu.memory_space<hbm>> -> memref<2048xi8, #tpu.memory_space<hbm>>
        tpu.enqueue_dma source(%dma_start3A_436 : memref<2048xi8, #tpu.memory_space<hbm>>) target(%dma_start3A_435 : memref<2048xi8, #tpu.memory_space<vmem>>) target_semaphore(%arg19 : memref<!tpu.dma_semaphore, #tpu.memory_space<semaphore_mem>>)
        %dma_start3A_437 = arith.constant 4096 : i32
        %dma_start3A_438 = tpu.memref_slice %arg11[%dma_start3A_437] : memref<16384xi8, #tpu.memory_space<vmem>> -> memref<2048xi8, #tpu.memory_space<vmem>>
        %dma_start3A_439 = tpu.memref_slice %arg4[%add3A_410] : memref<14680064xi8, #tpu.memory_space<hbm>> -> memref<2048xi8, #tpu.memory_space<hbm>>
        %dma_start3A_440 = arith.constant 4096 : i32
        %dma_start3A_441 = tpu.memref_slice %arg11[%dma_start3A_440] : memref<16384xi8, #tpu.memory_space<vmem>> -> memref<2048xi8, #tpu.memory_space<vmem>>
        %dma_start3A_442 = tpu.memref_slice %arg4[%add3A_410] : memref<14680064xi8, #tpu.memory_space<hbm>> -> memref<2048xi8, #tpu.memory_space<hbm>>
        tpu.enqueue_dma source(%dma_start3A_442 : memref<2048xi8, #tpu.memory_space<hbm>>) target(%dma_start3A_441 : memref<2048xi8, #tpu.memory_space<vmem>>) target_semaphore(%arg19 : memref<!tpu.dma_semaphore, #tpu.memory_space<semaphore_mem>>)
        %dma_start3A_443 = arith.constant 6144 : i32
        %dma_start3A_444 = tpu.memref_slice %arg11[%dma_start3A_443] : memref<16384xi8, #tpu.memory_space<vmem>> -> memref<2048xi8, #tpu.memory_space<vmem>>
        %dma_start3A_445 = tpu.memref_slice %arg4[%add3A_412] : memref<14680064xi8, #tpu.memory_space<hbm>> -> memref<2048xi8, #tpu.memory_space<hbm>>
        %dma_start3A_446 = arith.constant 6144 : i32
        %dma_start3A_447 = tpu.memref_slice %arg11[%dma_start3A_446] : memref<16384xi8, #tpu.memory_space<vmem>> -> memref<2048xi8, #tpu.memory_space<vmem>>
        %dma_start3A_448 = tpu.memref_slice %arg4[%add3A_412] : memref<14680064xi8, #tpu.memory_space<hbm>> -> memref<2048xi8, #tpu.memory_space<hbm>>
        tpu.enqueue_dma source(%dma_start3A_448 : memref<2048xi8, #tpu.memory_space<hbm>>) target(%dma_start3A_447 : memref<2048xi8, #tpu.memory_space<vmem>>) target_semaphore(%arg19 : memref<!tpu.dma_semaphore, #tpu.memory_space<semaphore_mem>>)
        %dma_start3A_449 = arith.constant 8192 : i32
        %dma_start3A_450 = tpu.memref_slice %arg11[%dma_start3A_449] : memref<16384xi8, #tpu.memory_space<vmem>> -> memref<2048xi8, #tpu.memory_space<vmem>>
        %dma_start3A_451 = tpu.memref_slice %arg4[%add3A_414] : memref<14680064xi8, #tpu.memory_space<hbm>> -> memref<2048xi8, #tpu.memory_space<hbm>>
        %dma_start3A_452 = arith.constant 8192 : i32
        %dma_start3A_453 = tpu.memref_slice %arg11[%dma_start3A_452] : memref<16384xi8, #tpu.memory_space<vmem>> -> memref<2048xi8, #tpu.memory_space<vmem>>
        %dma_start3A_454 = tpu.memref_slice %arg4[%add3A_414] : memref<14680064xi8, #tpu.memory_space<hbm>> -> memref<2048xi8, #tpu.memory_space<hbm>>
        tpu.enqueue_dma source(%dma_start3A_454 : memref<2048xi8, #tpu.memory_space<hbm>>) target(%dma_start3A_453 : memref<2048xi8, #tpu.memory_space<vmem>>) target_semaphore(%arg19 : memref<!tpu.dma_semaphore, #tpu.memory_space<semaphore_mem>>)
        %dma_start3A_455 = arith.constant 10240 : i32
        %dma_start3A_456 = tpu.memref_slice %arg11[%dma_start3A_455] : memref<16384xi8, #tpu.memory_space<vmem>> -> memref<2048xi8, #tpu.memory_space<vmem>>
        %dma_start3A_457 = tpu.memref_slice %arg4[%add3A_416] : memref<14680064xi8, #tpu.memory_space<hbm>> -> memref<2048xi8, #tpu.memory_space<hbm>>
        %dma_start3A_458 = arith.constant 10240 : i32
        %dma_start3A_459 = tpu.memref_slice %arg11[%dma_start3A_458] : memref<16384xi8, #tpu.memory_space<vmem>> -> memref<2048xi8, #tpu.memory_space<vmem>>
        %dma_start3A_460 = tpu.memref_slice %arg4[%add3A_416] : memref<14680064xi8, #tpu.memory_space<hbm>> -> memref<2048xi8, #tpu.memory_space<hbm>>
        tpu.enqueue_dma source(%dma_start3A_460 : memref<2048xi8, #tpu.memory_space<hbm>>) target(%dma_start3A_459 : memref<2048xi8, #tpu.memory_space<vmem>>) target_semaphore(%arg19 : memref<!tpu.dma_semaphore, #tpu.memory_space<semaphore_mem>>)
        %dma_start3A_461 = arith.constant 12288 : i32
        %dma_start3A_462 = tpu.memref_slice %arg11[%dma_start3A_461] : memref<16384xi8, #tpu.memory_space<vmem>> -> memref<2048xi8, #tpu.memory_space<vmem>>
        %dma_start3A_463 = tpu.memref_slice %arg4[%add3A_418] : memref<14680064xi8, #tpu.memory_space<hbm>> -> memref<2048xi8, #tpu.memory_space<hbm>>
        %dma_start3A_464 = arith.constant 12288 : i32
        %dma_start3A_465 = tpu.memref_slice %arg11[%dma_start3A_464] : memref<16384xi8, #tpu.memory_space<vmem>> -> memref<2048xi8, #tpu.memory_space<vmem>>
        %dma_start3A_466 = tpu.memref_slice %arg4[%add3A_418] : memref<14680064xi8, #tpu.memory_space<hbm>> -> memref<2048xi8, #tpu.memory_space<hbm>>
        tpu.enqueue_dma source(%dma_start3A_466 : memref<2048xi8, #tpu.memory_space<hbm>>) target(%dma_start3A_465 : memref<2048xi8, #tpu.memory_space<vmem>>) target_semaphore(%arg19 : memref<!tpu.dma_semaphore, #tpu.memory_space<semaphore_mem>>)
        %dma_start3A_467 = arith.constant 14336 : i32
        %dma_start3A_468 = tpu.memref_slice %arg11[%dma_start3A_467] : memref<16384xi8, #tpu.memory_space<vmem>> -> memref<2048xi8, #tpu.memory_space<vmem>>
        %dma_start3A_469 = tpu.memref_slice %arg4[%add3A_420] : memref<14680064xi8, #tpu.memory_space<hbm>> -> memref<2048xi8, #tpu.memory_space<hbm>>
        %dma_start3A_470 = arith.constant 14336 : i32
        %dma_start3A_471 = tpu.memref_slice %arg11[%dma_start3A_470] : memref<16384xi8, #tpu.memory_space<vmem>> -> memref<2048xi8, #tpu.memory_space<vmem>>
        %dma_start3A_472 = tpu.memref_slice %arg4[%add3A_420] : memref<14680064xi8, #tpu.memory_space<hbm>> -> memref<2048xi8, #tpu.memory_space<hbm>>
        tpu.enqueue_dma source(%dma_start3A_472 : memref<2048xi8, #tpu.memory_space<hbm>>) target(%dma_start3A_471 : memref<2048xi8, #tpu.memory_space<vmem>>) target_semaphore(%arg19 : memref<!tpu.dma_semaphore, #tpu.memory_space<semaphore_mem>>)
      } else {
      }
      %add3A_299 = arith.constant 1 : i32
      %add3A_300 = arith.addi %mul3A_125, %add3A_299 : i32
      %shift_right_arithmetic3A_301 = arith.constant 1 : i32
      %shift_right_arithmetic3A_302 = arith.shrsi %add3A_300, %shift_right_arithmetic3A_301 : i32
      %and3A_303 = arith.constant 1 : i32
      %and3A_304 = arith.andi %add3A_300, %and3A_303 : i32
      %mul3A_305 = arith.constant 2048 : i32
      %mul3A_306 = arith.muli %and3A_304, %mul3A_305 : i32
      %mul3A_307 = arith.constant 8 : i32
      %mul3A_308 = arith.muli %shift_right_arithmetic3A_302, %mul3A_307 : i32
      %add3A_309 = arith.addi %add3A_4, %mul3A_308 : i32
      %sub3A_310 = arith.constant 12800 : i32
      %sub3A_311 = arith.subi %add3A_309, %sub3A_310 : i32
      %mul3A_312 = arith.constant 4096 : i32
      %mul3A_313 = arith.muli %sub3A_311, %mul3A_312 : i32
      %add3A_314 = arith.addi %mul3A_313, %mul3A_306 : i32
      %add3A_315 = arith.constant 0 : i32
      %add3A_316 = arith.addi %add3A_314, %add3A_315 : i32
      %add3A_317 = arith.constant 4096 : i32
      %add3A_318 = arith.addi %add3A_314, %add3A_317 : i32
      %add3A_319 = arith.constant 8192 : i32
      %add3A_320 = arith.addi %add3A_314, %add3A_319 : i32
      %add3A_321 = arith.constant 12288 : i32
      %add3A_322 = arith.addi %add3A_314, %add3A_321 : i32
      %add3A_323 = arith.constant 16384 : i32
      %add3A_324 = arith.addi %add3A_314, %add3A_323 : i32
      %add3A_325 = arith.constant 20480 : i32
      %add3A_326 = arith.addi %add3A_314, %add3A_325 : i32
      %add3A_327 = arith.constant 24576 : i32
      %add3A_328 = arith.addi %add3A_314, %add3A_327 : i32
      %add3A_329 = arith.constant 28672 : i32
      %add3A_330 = arith.addi %add3A_314, %add3A_329 : i32
      %dma_wait3A_331 = tpu.memref_slice %arg2[%add3A_309, %mul3A_306] : memref<16384x4096xf32, #tpu.memory_space<hbm>> -> memref<8x2048xf32, #tpu.memory_space<hbm>>
      %dma_wait3A_332 = tpu.memref_slice %arg2[%add3A_309, %mul3A_306] : memref<16384x4096xf32, #tpu.memory_space<hbm>> -> memref<8x2048xf32, #tpu.memory_space<hbm>>
      tpu.wait_dma2 semaphore(%arg16 : memref<!tpu.dma_semaphore, #tpu.memory_space<semaphore_mem>>) src(%dma_wait3A_332 : memref<8x2048xf32, #tpu.memory_space<hbm>>) dst(%arg8 : memref<8x2048xf32, #tpu.memory_space<vmem>>)
      %dma_wait3A_333 = tpu.memref_slice %arg3[%add3A_309, %mul3A_306] : memref<16384x4096xf32, #tpu.memory_space<hbm>> -> memref<8x2048xf32, #tpu.memory_space<hbm>>
      %dma_wait3A_334 = tpu.memref_slice %arg3[%add3A_309, %mul3A_306] : memref<16384x4096xf32, #tpu.memory_space<hbm>> -> memref<8x2048xf32, #tpu.memory_space<hbm>>
      tpu.wait_dma2 semaphore(%arg18 : memref<!tpu.dma_semaphore, #tpu.memory_space<semaphore_mem>>) src(%dma_wait3A_334 : memref<8x2048xf32, #tpu.memory_space<hbm>>) dst(%arg10 : memref<8x2048xf32, #tpu.memory_space<vmem>>)
      %dma_wait3A_335 = arith.constant 0 : i32
      %dma_wait3A_336 = tpu.memref_slice %arg12[%dma_wait3A_335] : memref<16384xi8, #tpu.memory_space<vmem>> -> memref<2048xi8, #tpu.memory_space<vmem>>
      %dma_wait3A_337 = tpu.memref_slice %arg4[%add3A_316] : memref<14680064xi8, #tpu.memory_space<hbm>> -> memref<2048xi8, #tpu.memory_space<hbm>>
      %dma_wait3A_338 = arith.constant 0 : i32
      %dma_wait3A_339 = tpu.memref_slice %arg12[%dma_wait3A_338] : memref<16384xi8, #tpu.memory_space<vmem>> -> memref<2048xi8, #tpu.memory_space<vmem>>
      %dma_wait3A_340 = tpu.memref_slice %arg4[%add3A_316] : memref<14680064xi8, #tpu.memory_space<hbm>> -> memref<2048xi8, #tpu.memory_space<hbm>>
      tpu.wait_dma2 semaphore(%arg20 : memref<!tpu.dma_semaphore, #tpu.memory_space<semaphore_mem>>) src(%dma_wait3A_340 : memref<2048xi8, #tpu.memory_space<hbm>>) dst(%dma_wait3A_339 : memref<2048xi8, #tpu.memory_space<vmem>>)
      %dma_wait3A_341 = arith.constant 2048 : i32
      %dma_wait3A_342 = tpu.memref_slice %arg12[%dma_wait3A_341] : memref<16384xi8, #tpu.memory_space<vmem>> -> memref<2048xi8, #tpu.memory_space<vmem>>
      %dma_wait3A_343 = tpu.memref_slice %arg4[%add3A_318] : memref<14680064xi8, #tpu.memory_space<hbm>> -> memref<2048xi8, #tpu.memory_space<hbm>>
      %dma_wait3A_344 = arith.constant 2048 : i32
      %dma_wait3A_345 = tpu.memref_slice %arg12[%dma_wait3A_344] : memref<16384xi8, #tpu.memory_space<vmem>> -> memref<2048xi8, #tpu.memory_space<vmem>>
      %dma_wait3A_346 = tpu.memref_slice %arg4[%add3A_318] : memref<14680064xi8, #tpu.memory_space<hbm>> -> memref<2048xi8, #tpu.memory_space<hbm>>
      tpu.wait_dma2 semaphore(%arg20 : memref<!tpu.dma_semaphore, #tpu.memory_space<semaphore_mem>>) src(%dma_wait3A_346 : memref<2048xi8, #tpu.memory_space<hbm>>) dst(%dma_wait3A_345 : memref<2048xi8, #tpu.memory_space<vmem>>)
      %dma_wait3A_347 = arith.constant 4096 : i32
      %dma_wait3A_348 = tpu.memref_slice %arg12[%dma_wait3A_347] : memref<16384xi8, #tpu.memory_space<vmem>> -> memref<2048xi8, #tpu.memory_space<vmem>>
      %dma_wait3A_349 = tpu.memref_slice %arg4[%add3A_320] : memref<14680064xi8, #tpu.memory_space<hbm>> -> memref<2048xi8, #tpu.memory_space<hbm>>
      %dma_wait3A_350 = arith.constant 4096 : i32
      %dma_wait3A_351 = tpu.memref_slice %arg12[%dma_wait3A_350] : memref<16384xi8, #tpu.memory_space<vmem>> -> memref<2048xi8, #tpu.memory_space<vmem>>
      %dma_wait3A_352 = tpu.memref_slice %arg4[%add3A_320] : memref<14680064xi8, #tpu.memory_space<hbm>> -> memref<2048xi8, #tpu.memory_space<hbm>>
      tpu.wait_dma2 semaphore(%arg20 : memref<!tpu.dma_semaphore, #tpu.memory_space<semaphore_mem>>) src(%dma_wait3A_352 : memref<2048xi8, #tpu.memory_space<hbm>>) dst(%dma_wait3A_351 : memref<2048xi8, #tpu.memory_space<vmem>>)
      %dma_wait3A_353 = arith.constant 6144 : i32
      %dma_wait3A_354 = tpu.memref_slice %arg12[%dma_wait3A_353] : memref<16384xi8, #tpu.memory_space<vmem>> -> memref<2048xi8, #tpu.memory_space<vmem>>
      %dma_wait3A_355 = tpu.memref_slice %arg4[%add3A_322] : memref<14680064xi8, #tpu.memory_space<hbm>> -> memref<2048xi8, #tpu.memory_space<hbm>>
      %dma_wait3A_356 = arith.constant 6144 : i32
      %dma_wait3A_357 = tpu.memref_slice %arg12[%dma_wait3A_356] : memref<16384xi8, #tpu.memory_space<vmem>> -> memref<2048xi8, #tpu.memory_space<vmem>>
      %dma_wait3A_358 = tpu.memref_slice %arg4[%add3A_322] : memref<14680064xi8, #tpu.memory_space<hbm>> -> memref<2048xi8, #tpu.memory_space<hbm>>
      tpu.wait_dma2 semaphore(%arg20 : memref<!tpu.dma_semaphore, #tpu.memory_space<semaphore_mem>>) src(%dma_wait3A_358 : memref<2048xi8, #tpu.memory_space<hbm>>) dst(%dma_wait3A_357 : memref<2048xi8, #tpu.memory_space<vmem>>)
      %dma_wait3A_359 = arith.constant 8192 : i32
      %dma_wait3A_360 = tpu.memref_slice %arg12[%dma_wait3A_359] : memref<16384xi8, #tpu.memory_space<vmem>> -> memref<2048xi8, #tpu.memory_space<vmem>>
      %dma_wait3A_361 = tpu.memref_slice %arg4[%add3A_324] : memref<14680064xi8, #tpu.memory_space<hbm>> -> memref<2048xi8, #tpu.memory_space<hbm>>
      %dma_wait3A_362 = arith.constant 8192 : i32
      %dma_wait3A_363 = tpu.memref_slice %arg12[%dma_wait3A_362] : memref<16384xi8, #tpu.memory_space<vmem>> -> memref<2048xi8, #tpu.memory_space<vmem>>
      %dma_wait3A_364 = tpu.memref_slice %arg4[%add3A_324] : memref<14680064xi8, #tpu.memory_space<hbm>> -> memref<2048xi8, #tpu.memory_space<hbm>>
      tpu.wait_dma2 semaphore(%arg20 : memref<!tpu.dma_semaphore, #tpu.memory_space<semaphore_mem>>) src(%dma_wait3A_364 : memref<2048xi8, #tpu.memory_space<hbm>>) dst(%dma_wait3A_363 : memref<2048xi8, #tpu.memory_space<vmem>>)
      %dma_wait3A_365 = arith.constant 10240 : i32
      %dma_wait3A_366 = tpu.memref_slice %arg12[%dma_wait3A_365] : memref<16384xi8, #tpu.memory_space<vmem>> -> memref<2048xi8, #tpu.memory_space<vmem>>
      %dma_wait3A_367 = tpu.memref_slice %arg4[%add3A_326] : memref<14680064xi8, #tpu.memory_space<hbm>> -> memref<2048xi8, #tpu.memory_space<hbm>>
      %dma_wait3A_368 = arith.constant 10240 : i32
      %dma_wait3A_369 = tpu.memref_slice %arg12[%dma_wait3A_368] : memref<16384xi8, #tpu.memory_space<vmem>> -> memref<2048xi8, #tpu.memory_space<vmem>>
      %dma_wait3A_370 = tpu.memref_slice %arg4[%add3A_326] : memref<14680064xi8, #tpu.memory_space<hbm>> -> memref<2048xi8, #tpu.memory_space<hbm>>
      tpu.wait_dma2 semaphore(%arg20 : memref<!tpu.dma_semaphore, #tpu.memory_space<semaphore_mem>>) src(%dma_wait3A_370 : memref<2048xi8, #tpu.memory_space<hbm>>) dst(%dma_wait3A_369 : memref<2048xi8, #tpu.memory_space<vmem>>)
      %dma_wait3A_371 = arith.constant 12288 : i32
      %dma_wait3A_372 = tpu.memref_slice %arg12[%dma_wait3A_371] : memref<16384xi8, #tpu.memory_space<vmem>> -> memref<2048xi8, #tpu.memory_space<vmem>>
      %dma_wait3A_373 = tpu.memref_slice %arg4[%add3A_328] : memref<14680064xi8, #tpu.memory_space<hbm>> -> memref<2048xi8, #tpu.memory_space<hbm>>
      %dma_wait3A_374 = arith.constant 12288 : i32
      %dma_wait3A_375 = tpu.memref_slice %arg12[%dma_wait3A_374] : memref<16384xi8, #tpu.memory_space<vmem>> -> memref<2048xi8, #tpu.memory_space<vmem>>
      %dma_wait3A_376 = tpu.memref_slice %arg4[%add3A_328] : memref<14680064xi8, #tpu.memory_space<hbm>> -> memref<2048xi8, #tpu.memory_space<hbm>>
      tpu.wait_dma2 semaphore(%arg20 : memref<!tpu.dma_semaphore, #tpu.memory_space<semaphore_mem>>) src(%dma_wait3A_376 : memref<2048xi8, #tpu.memory_space<hbm>>) dst(%dma_wait3A_375 : memref<2048xi8, #tpu.memory_space<vmem>>)
      %dma_wait3A_377 = arith.constant 14336 : i32
      %dma_wait3A_378 = tpu.memref_slice %arg12[%dma_wait3A_377] : memref<16384xi8, #tpu.memory_space<vmem>> -> memref<2048xi8, #tpu.memory_space<vmem>>
      %dma_wait3A_379 = tpu.memref_slice %arg4[%add3A_330] : memref<14680064xi8, #tpu.memory_space<hbm>> -> memref<2048xi8, #tpu.memory_space<hbm>>
      %dma_wait3A_380 = arith.constant 14336 : i32
      %dma_wait3A_381 = tpu.memref_slice %arg12[%dma_wait3A_380] : memref<16384xi8, #tpu.memory_space<vmem>> -> memref<2048xi8, #tpu.memory_space<vmem>>
      %dma_wait3A_382 = tpu.memref_slice %arg4[%add3A_330] : memref<14680064xi8, #tpu.memory_space<hbm>> -> memref<2048xi8, #tpu.memory_space<hbm>>
      tpu.wait_dma2 semaphore(%arg20 : memref<!tpu.dma_semaphore, #tpu.memory_space<semaphore_mem>>) src(%dma_wait3A_382 : memref<2048xi8, #tpu.memory_space<hbm>>) dst(%dma_wait3A_381 : memref<2048xi8, #tpu.memory_space<vmem>>)
      %scan3A_383 = arith.constant 0 : i32
      %scan3A_384 = arith.constant 256 : i32
      %scan3A_385 = arith.addi %scan3A_383, %scan3A_384 : i32
      %scan3A_386 = arith.constant 1 : i32
      %scan3A_387:2 = scf.for %scan3A_389 = %scan3A_383 to %scan3A_385 step %scan3A_386 iter_args(%scan3A_390 = %scan3A_293#0, %scan3A_391 = %scan3A_293#1) -> (vector<16xf32>, vector<16xi32>)  : i32 {
        %mul3A_392 = arith.constant 64 : i32
        %mul3A_393 = arith.muli %scan3A_389, %mul3A_392 : i32
        %get3A = arith.index_cast %mul3A_393 : i32 to index
        %get3A_394 = tpu.vector_load %arg12[%get3A] {strides = array<i32>} : memref<16384xi8, #tpu.memory_space<vmem>>, vector<64xi8>,
        %bitcast3A = vector.bitcast %get3A_394 : vector<64xi8> to vector<16xi32>
        %and3A_395 = vector.broadcast %scan3A : i32 to vector<16xi32>
        %and3A_396 = arith.andi %bitcast3A, %and3A_395 : vector<16xi32>
        %mul3A_397 = vector.broadcast %scan3A : i32 to vector<16xi32>
        %mul3A_398 = arith.muli %and3A_396, %mul3A_397 : vector<16xi32>
        %shift_right_arithmetic3A_399 = arith.constant 24 : i32
        %shift_right_arithmetic3A_400 = vector.broadcast %shift_right_arithmetic3A_399 : i32 to vector<16xi32>
        %shift_right_arithmetic3A_401 = arith.shrsi %mul3A_398, %shift_right_arithmetic3A_400 : vector<16xi32>
        %add3A_402 = arith.addi %scan3A_391, %shift_right_arithmetic3A_401 : vector<16xi32>
        %shift_right_arithmetic3A_403 = arith.constant 5 : i32
        %shift_right_arithmetic3A_404 = arith.shrsi %scan3A_389, %shift_right_arithmetic3A_403 : i32
        %add3A_405 = vector.broadcast %shift_right_arithmetic3A_404 : i32 to vector<16xi32>
        %add3A_406 = arith.addi %broadcast_in_dim3A_29, %add3A_405 : vector<16xi32>
        %and3A_407 = arith.constant 31 : i32
        %and3A_408 = arith.andi %scan3A_389, %and3A_407 : i32
        %mul3A_409 = arith.constant 64 : i32
        %mul3A_410 = arith.muli %and3A_408, %mul3A_409 : i32
        %and3A_411 = arith.constant 1 : i32
        %and3A_412 = vector.broadcast %and3A_411 : i32 to vector<16xi32>
        %and3A_413 = arith.andi %bitcast3A, %and3A_412 : vector<16xi32>
        %eq3A = arith.constant 0 : i32
        %eq3A_414 = vector.broadcast %eq3A : i32 to vector<16xi32>
        %eq3A_415 = arith.cmpi eq, %and3A_413, %eq3A_414 : vector<16xi32>
        %add3A_416 = vector.broadcast %mul3A_410 : i32 to vector<16xi32>
        %add3A_417 = arith.addi %add3A_10, %add3A_416 : vector<16xi32>
        %gather3A = tpu.vector_load_idx %arg8[%add3A_406, %add3A_417] : memref<8x2048xf32, #tpu.memory_space<vmem>>[vector<16xi32>, vector<16xi32>], vector<16xf32>,
        %gather3A_418 = tpu.vector_load_idx %arg10[%add3A_406, %add3A_417] : memref<8x2048xf32, #tpu.memory_space<vmem>>[vector<16xi32>, vector<16xi32>], vector<16xf32>,
        %sub3A_419 = arith.subf %gather3A, %gather3A_418 : vector<16xf32>
        %mul3A_420 = arith.mulf %sub3A_419, %sub3A_419 : vector<16xf32>
        %jit3A = arith.constant 0.000000e+00 : f32
        %broadcast_in_dim3A_421 = vector.broadcast %jit3A : f32 to vector<16xf32>
        %select_n3A = arith.select %eq3A_415, %mul3A_420, %broadcast_in_dim3A_421 : vector<16xi1>, vector<16xf32>
        %add3A_422 = arith.addf %scan3A_390, %select_n3A : vector<16xf32>
        %shift_right_arithmetic3A_423 = arith.constant 8 : i32
        %shift_right_arithmetic3A_424 = vector.broadcast %shift_right_arithmetic3A_423 : i32 to vector<16xi32>
        %shift_right_arithmetic3A_425 = arith.shrsi %bitcast3A, %shift_right_arithmetic3A_424 : vector<16xi32>
        %and3A_426 = arith.constant 1 : i32
        %and3A_427 = vector.broadcast %and3A_426 : i32 to vector<16xi32>
        %and3A_428 = arith.andi %shift_right_arithmetic3A_425, %and3A_427 : vector<16xi32>
        %eq3A_429 = arith.constant 0 : i32
        %eq3A_430 = vector.broadcast %eq3A_429 : i32 to vector<16xi32>
        %eq3A_431 = arith.cmpi eq, %and3A_428, %eq3A_430 : vector<16xi32>
        %add3A_432 = vector.broadcast %mul3A_410 : i32 to vector<16xi32>
        %add3A_433 = arith.addi %add3A_16, %add3A_432 : vector<16xi32>
        %gather3A_434 = tpu.vector_load_idx %arg8[%add3A_406, %add3A_433] : memref<8x2048xf32, #tpu.memory_space<vmem>>[vector<16xi32>, vector<16xi32>], vector<16xf32>,
        %gather3A_435 = tpu.vector_load_idx %arg10[%add3A_406, %add3A_433] : memref<8x2048xf32, #tpu.memory_space<vmem>>[vector<16xi32>, vector<16xi32>], vector<16xf32>,
        %sub3A_436 = arith.subf %gather3A_434, %gather3A_435 : vector<16xf32>
        %mul3A_437 = arith.mulf %sub3A_436, %sub3A_436 : vector<16xf32>
        %jit3A_438 = arith.constant 0.000000e+00 : f32
        %broadcast_in_dim3A_439 = vector.broadcast %jit3A_438 : f32 to vector<16xf32>
        %select_n3A_440 = arith.select %eq3A_431, %mul3A_437, %broadcast_in_dim3A_439 : vector<16xi1>, vector<16xf32>
        %add3A_441 = arith.addf %add3A_422, %select_n3A_440 : vector<16xf32>
        %shift_right_arithmetic3A_442 = arith.constant 16 : i32
        %shift_right_arithmetic3A_443 = vector.broadcast %shift_right_arithmetic3A_442 : i32 to vector<16xi32>
        %shift_right_arithmetic3A_444 = arith.shrsi %bitcast3A, %shift_right_arithmetic3A_443 : vector<16xi32>
        %and3A_445 = arith.constant 1 : i32
        %and3A_446 = vector.broadcast %and3A_445 : i32 to vector<16xi32>
        %and3A_447 = arith.andi %shift_right_arithmetic3A_444, %and3A_446 : vector<16xi32>
        %eq3A_448 = arith.constant 0 : i32
        %eq3A_449 = vector.broadcast %eq3A_448 : i32 to vector<16xi32>
        %eq3A_450 = arith.cmpi eq, %and3A_447, %eq3A_449 : vector<16xi32>
        %add3A_451 = vector.broadcast %mul3A_410 : i32 to vector<16xi32>
        %add3A_452 = arith.addi %add3A_22, %add3A_451 : vector<16xi32>
        %gather3A_453 = tpu.vector_load_idx %arg8[%add3A_406, %add3A_452] : memref<8x2048xf32, #tpu.memory_space<vmem>>[vector<16xi32>, vector<16xi32>], vector<16xf32>,
        %gather3A_454 = tpu.vector_load_idx %arg10[%add3A_406, %add3A_452] : memref<8x2048xf32, #tpu.memory_space<vmem>>[vector<16xi32>, vector<16xi32>], vector<16xf32>,
        %sub3A_455 = arith.subf %gather3A_453, %gather3A_454 : vector<16xf32>
        %mul3A_456 = arith.mulf %sub3A_455, %sub3A_455 : vector<16xf32>
        %jit3A_457 = arith.constant 0.000000e+00 : f32
        %broadcast_in_dim3A_458 = vector.broadcast %jit3A_457 : f32 to vector<16xf32>
        %select_n3A_459 = arith.select %eq3A_450, %mul3A_456, %broadcast_in_dim3A_458 : vector<16xi1>, vector<16xf32>
        %add3A_460 = arith.addf %add3A_441, %select_n3A_459 : vector<16xf32>
        %shift_right_arithmetic3A_461 = arith.constant 24 : i32
        %shift_right_arithmetic3A_462 = vector.broadcast %shift_right_arithmetic3A_461 : i32 to vector<16xi32>
        %shift_right_arithmetic3A_463 = arith.shrsi %bitcast3A, %shift_right_arithmetic3A_462 : vector<16xi32>
        %and3A_464 = arith.constant 1 : i32
        %and3A_465 = vector.broadcast %and3A_464 : i32 to vector<16xi32>
        %and3A_466 = arith.andi %shift_right_arithmetic3A_463, %and3A_465 : vector<16xi32>
        %eq3A_467 = arith.constant 0 : i32
        %eq3A_468 = vector.broadcast %eq3A_467 : i32 to vector<16xi32>
        %eq3A_469 = arith.cmpi eq, %and3A_466, %eq3A_468 : vector<16xi32>
        %add3A_470 = vector.broadcast %mul3A_410 : i32 to vector<16xi32>
        %add3A_471 = arith.addi %add3A_28, %add3A_470 : vector<16xi32>
        %gather3A_472 = tpu.vector_load_idx %arg8[%add3A_406, %add3A_471] : memref<8x2048xf32, #tpu.memory_space<vmem>>[vector<16xi32>, vector<16xi32>], vector<16xf32>,
        %gather3A_473 = tpu.vector_load_idx %arg10[%add3A_406, %add3A_471] : memref<8x2048xf32, #tpu.memory_space<vmem>>[vector<16xi32>, vector<16xi32>], vector<16xf32>,
        %sub3A_474 = arith.subf %gather3A_472, %gather3A_473 : vector<16xf32>
        %mul3A_475 = arith.mulf %sub3A_474, %sub3A_474 : vector<16xf32>
        %jit3A_476 = arith.constant 0.000000e+00 : f32
        %broadcast_in_dim3A_477 = vector.broadcast %jit3A_476 : f32 to vector<16xf32>
        %select_n3A_478 = arith.select %eq3A_469, %mul3A_475, %broadcast_in_dim3A_477 : vector<16xi1>, vector<16xf32>
        %add3A_479 = arith.addf %add3A_460, %select_n3A_478 : vector<16xf32>
        scf.yield %add3A_479, %add3A_402 : vector<16xf32>, vector<16xi32>
      }
      %scan3A_388 = arith.constant 256 : i32
      scf.yield %scan3A_387#0, %scan3A_387#1 : vector<16xf32>, vector<16xi32>
    }
    %scan3A_117 = arith.constant 14 : i32
    %swap3A = arith.constant 0 : index
    %swap3A_118 = tpu.vector_load %arg13[%swap3A] {strides = array<i32>} : memref<16xf32, #tpu.memory_space<vmem>>, vector<16xf32>,
    tpu.vector_store %arg13[%swap3A], %scan3A_116#0 {strides = array<i32>} : memref<16xf32, #tpu.memory_space<vmem>>, vector<16xf32>,
    %swap3A_119 = arith.constant 0 : index
    %swap3A_120 = tpu.vector_load %arg14[%swap3A_119] {strides = array<i32>} : memref<16xi32, #tpu.memory_space<vmem>>, vector<16xi32>,
    tpu.vector_store %arg14[%swap3A_119], %scan3A_116#1 {strides = array<i32>} : memref<16xi32, #tpu.memory_space<vmem>>, vector<16xi32>,
    "tpu.region"() ({
      %run_scoped3A = tpu.sem_alloc : memref<!tpu.dma_semaphore, #tpu.memory_space<semaphore_mem>>
      %dma_start3A_121 = arith.constant 0 : i32
      %dma_start3A_122 = tpu.memref_slice %arg5[%add3A, %dma_start3A_121] : memref<32x16xf32, #tpu.memory_space<hbm>> -> memref<1x16xf32, #tpu.memory_space<hbm>>
      %dma_start3A_123 = tpu.memref_squeeze %dma_start3A_122 : memref<1x16xf32, #tpu.memory_space<hbm>> -> memref<16xf32, #tpu.memory_space<hbm>>
      %dma_start3A_124 = arith.constant 0 : i32
      %dma_start3A_125 = tpu.memref_slice %arg5[%add3A, %dma_start3A_124] : memref<32x16xf32, #tpu.memory_space<hbm>> -> memref<1x16xf32, #tpu.memory_space<hbm>>
      %dma_start3A_126 = tpu.memref_squeeze %dma_start3A_125 : memref<1x16xf32, #tpu.memory_space<hbm>> -> memref<16xf32, #tpu.memory_space<hbm>>
      tpu.enqueue_dma source(%arg13 : memref<16xf32, #tpu.memory_space<vmem>>) target(%dma_start3A_126 : memref<16xf32, #tpu.memory_space<hbm>>) target_semaphore(%run_scoped3A : memref<!tpu.dma_semaphore, #tpu.memory_space<semaphore_mem>>)
      %dma_wait3A = arith.constant 0 : i32
      %dma_wait3A_127 = tpu.memref_slice %arg5[%add3A, %dma_wait3A] : memref<32x16xf32, #tpu.memory_space<hbm>> -> memref<1x16xf32, #tpu.memory_space<hbm>>
      %dma_wait3A_128 = tpu.memref_squeeze %dma_wait3A_127 : memref<1x16xf32, #tpu.memory_space<hbm>> -> memref<16xf32, #tpu.memory_space<hbm>>
      %dma_wait3A_129 = arith.constant 0 : i32
      %dma_wait3A_130 = tpu.memref_slice %arg5[%add3A, %dma_wait3A_129] : memref<32x16xf32, #tpu.memory_space<hbm>> -> memref<1x16xf32, #tpu.memory_space<hbm>>
      %dma_wait3A_131 = tpu.memref_squeeze %dma_wait3A_130 : memref<1x16xf32, #tpu.memory_space<hbm>> -> memref<16xf32, #tpu.memory_space<hbm>>
      tpu.wait_dma2 semaphore(%run_scoped3A : memref<!tpu.dma_semaphore, #tpu.memory_space<semaphore_mem>>) src(%arg13 : memref<16xf32, #tpu.memory_space<vmem>>) dst(%dma_wait3A_131 : memref<16xf32, #tpu.memory_space<hbm>>)
      tpu.yield
    }) : () -> ()
    "tpu.region"() ({
      %run_scoped3A = tpu.sem_alloc : memref<!tpu.dma_semaphore, #tpu.memory_space<semaphore_mem>>
      %dma_start3A_121 = arith.constant 0 : i32
      %dma_start3A_122 = tpu.memref_slice %arg6[%add3A, %dma_start3A_121] : memref<32x16xi32, #tpu.memory_space<hbm>> -> memref<1x16xi32, #tpu.memory_space<hbm>>
      %dma_start3A_123 = tpu.memref_squeeze %dma_start3A_122 : memref<1x16xi32, #tpu.memory_space<hbm>> -> memref<16xi32, #tpu.memory_space<hbm>>
      %dma_start3A_124 = arith.constant 0 : i32
      %dma_start3A_125 = tpu.memref_slice %arg6[%add3A, %dma_start3A_124] : memref<32x16xi32, #tpu.memory_space<hbm>> -> memref<1x16xi32, #tpu.memory_space<hbm>>
      %dma_start3A_126 = tpu.memref_squeeze %dma_start3A_125 : memref<1x16xi32, #tpu.memory_space<hbm>> -> memref<16xi32, #tpu.memory_space<hbm>>
      tpu.enqueue_dma source(%arg14 : memref<16xi32, #tpu.memory_space<vmem>>) target(%dma_start3A_126 : memref<16xi32, #tpu.memory_space<hbm>>) target_semaphore(%run_scoped3A : memref<!tpu.dma_semaphore, #tpu.memory_space<semaphore_mem>>)
      %dma_wait3A = arith.constant 0 : i32
      %dma_wait3A_127 = tpu.memref_slice %arg6[%add3A, %dma_wait3A] : memref<32x16xi32, #tpu.memory_space<hbm>> -> memref<1x16xi32, #tpu.memory_space<hbm>>
      %dma_wait3A_128 = tpu.memref_squeeze %dma_wait3A_127 : memref<1x16xi32, #tpu.memory_space<hbm>> -> memref<16xi32, #tpu.memory_space<hbm>>
      %dma_wait3A_129 = arith.constant 0 : i32
      %dma_wait3A_130 = tpu.memref_slice %arg6[%add3A, %dma_wait3A_129] : memref<32x16xi32, #tpu.memory_space<hbm>> -> memref<1x16xi32, #tpu.memory_space<hbm>>
      %dma_wait3A_131 = tpu.memref_squeeze %dma_wait3A_130 : memref<1x16xi32, #tpu.memory_space<hbm>> -> memref<16xi32, #tpu.memory_space<hbm>>
      tpu.wait_dma2 semaphore(%run_scoped3A : memref<!tpu.dma_semaphore, #tpu.memory_space<semaphore_mem>>) src(%arg14 : memref<16xi32, #tpu.memory_space<vmem>>) dst(%dma_wait3A_131 : memref<16xi32, #tpu.memory_space<hbm>>)
      tpu.yield
    }) : () -> ()
    return
  }
}

module attributes {stable_mosaic.version = 14 : i64} {
  func.func @_tc_body(%arg0: i32, %arg1: memref<256x4096xf32, #tpu.memory_space<vmem>>, %arg2: memref<256x4096xf32, #tpu.memory_space<vmem>>, %arg3: memref<256x4096xi8, #tpu.memory_space<vmem>>, %arg4: memref<1x1xf32, #tpu.memory_space<smem>>, %arg5: memref<1x1xi32, #tpu.memory_space<smem>>, %arg6: memref<1xf32, #tpu.memory_space<smem>>, %arg7: memref<1xi32, #tpu.memory_space<smem>>) attributes {dimension_semantics = [#tpu.dimension_semantics<arbitrary>], iteration_bounds = array<i64: 50>, scalar_prefetch = 0 : i64, scratch_operands = 2 : i64, tpu.core_type = #tpu.core_type<tc>, window_params = [{transform_indices = @transform_0, window_bounds = array<i64: 256, 4096>}, {transform_indices = @transform_1, window_bounds = array<i64: 256, 4096>}, {transform_indices = @transform_2, window_bounds = array<i64: 256, 4096>}, {transform_indices = @transform_3, window_bounds = array<i64: 1, 1>}, {transform_indices = @transform_4, window_bounds = array<i64: 1, 1>}]} {
    %eq3A = arith.constant 0 : i32
    %eq3A_0 = arith.cmpi eq, %arg0, %eq3A : i32
    %convert_element_type3A = arith.extui %eq3A_0 : i1 to i32
    %cond3A = arith.constant 0 : i32
    %cond3A_1 = arith.cmpi ne, %convert_element_type3A, %cond3A : i32
    scf.if %cond3A_1 {
      %swap3A_39 = arith.constant 0.000000e+00 : f32
      %swap3A_40 = arith.constant 0 : index
      %swap3A_41 = memref.load %arg6[%swap3A_40] : memref<1xf32, #tpu.memory_space<smem>>
      memref.store %swap3A_39, %arg6[%swap3A_40] : memref<1xf32, #tpu.memory_space<smem>>
      %swap3A_42 = arith.constant 0 : i32
      %swap3A_43 = arith.constant 0 : index
      %swap3A_44 = memref.load %arg7[%swap3A_43] : memref<1xi32, #tpu.memory_space<smem>>
      memref.store %swap3A_42, %arg7[%swap3A_43] : memref<1xi32, #tpu.memory_space<smem>>
    } else {
    }
    %get3A = arith.constant 0 : index
    %get3A_2 = arith.constant 0 : index
    %get3A_3 = vector.load %arg1[%get3A, %get3A_2] : memref<256x4096xf32, #tpu.memory_space<vmem>>, vector<256x4096xf32>
    %get3A_4 = arith.constant 0 : index
    %get3A_5 = arith.constant 0 : index
    %get3A_6 = vector.load %arg2[%get3A_4, %get3A_5] : memref<256x4096xf32, #tpu.memory_space<vmem>>, vector<256x4096xf32>
    %get3A_7 = arith.constant 0 : index
    %get3A_8 = arith.constant 0 : index
    %get3A_9 = vector.load %arg3[%get3A_7, %get3A_8] : memref<256x4096xi8, #tpu.memory_space<vmem>>, vector<256x4096xi8>
    %sub3A = arith.subf %get3A_3, %get3A_6 : vector<256x4096xf32>
    %mul3A = arith.mulf %sub3A, %sub3A : vector<256x4096xf32>
    %ne3A = arith.constant 0 : i8
    %ne3A_10 = vector.broadcast %ne3A : i8 to vector<256x4096xi8>
    %ne3A_11 = arith.cmpi ne, %get3A_9, %ne3A_10 : vector<256x4096xi8>
    %jit3A = arith.constant 0x7FC00000 : f32
    %broadcast_in_dim3A = vector.broadcast %jit3A : f32 to vector<256x4096xf32>
    %select_n3A = arith.select %ne3A_11, %broadcast_in_dim3A, %mul3A : vector<256x4096xi1>, vector<256x4096xf32>
    %eq3A_12 = arith.cmpf oeq, %select_n3A, %select_n3A : vector<256x4096xf32>
    %get3A_13 = arith.constant 0 : index
    %get3A_14 = memref.load %arg6[%get3A_13] : memref<1xf32, #tpu.memory_space<smem>>
    %jit3A_15 = arith.constant 0.000000e+00 : f32
    %broadcast_in_dim3A_16 = vector.broadcast %jit3A_15 : f32 to vector<256x4096xf32>
    %select_n3A_17 = arith.select %eq3A_12, %mul3A, %broadcast_in_dim3A_16 : vector<256x4096xi1>, vector<256x4096xf32>
    %reduce_sum3A = vector.shape_cast %select_n3A_17 : vector<256x4096xf32> to vector<1x256x4096xf32>
    %reduce_sum3A_18 = arith.constant dense<0.000000e+00> : vector<1xf32>
    %reduce_sum3A_19 = vector.multi_reduction <add>, %reduce_sum3A, %reduce_sum3A_18 [1, 2] : vector<1x256x4096xf32> to vector<1xf32>
    %reduce_sum3A_20 = vector.shape_cast %reduce_sum3A_19 : vector<1xf32> to vector<1x1x1xf32>
    %reduce_sum3A_21 = vector.extract %reduce_sum3A_20[0, 0, 0] : f32 from vector<1x1x1xf32>
    %add3A = arith.addf %get3A_14, %reduce_sum3A_21 : f32
    %swap3A = arith.constant 0 : index
    %swap3A_22 = memref.load %arg6[%swap3A] : memref<1xf32, #tpu.memory_space<smem>>
    memref.store %add3A, %arg6[%swap3A] : memref<1xf32, #tpu.memory_space<smem>>
    %get3A_23 = arith.constant 0 : index
    %get3A_24 = memref.load %arg7[%get3A_23] : memref<1xi32, #tpu.memory_space<smem>>
    %convert_element_type3A_25 = arith.extui %eq3A_12 : vector<256x4096xi1> to vector<256x4096xi32>
    %reduce_sum3A_26 = vector.shape_cast %convert_element_type3A_25 : vector<256x4096xi32> to vector<1x256x4096xi32>
    %reduce_sum3A_27 = arith.constant dense<0> : vector<1xi32>
    %reduce_sum3A_28 = vector.multi_reduction <add>, %reduce_sum3A_26, %reduce_sum3A_27 [1, 2] : vector<1x256x4096xi32> to vector<1xi32>
    %reduce_sum3A_29 = vector.shape_cast %reduce_sum3A_28 : vector<1xi32> to vector<1x1x1xi32>
    %reduce_sum3A_30 = vector.extract %reduce_sum3A_29[0, 0, 0] : i32 from vector<1x1x1xi32>
    %add3A_31 = arith.addi %get3A_24, %reduce_sum3A_30 : i32
    %swap3A_32 = arith.constant 0 : index
    %swap3A_33 = memref.load %arg7[%swap3A_32] : memref<1xi32, #tpu.memory_space<smem>>
    memref.store %add3A_31, %arg7[%swap3A_32] : memref<1xi32, #tpu.memory_space<smem>>
    %eq3A_34 = arith.constant 49 : i32
    %eq3A_35 = arith.cmpi eq, %arg0, %eq3A_34 : i32
    %convert_element_type3A_36 = arith.extui %eq3A_35 : i1 to i32
    %cond3A_37 = arith.constant 0 : i32
    %cond3A_38 = arith.cmpi ne, %convert_element_type3A_36, %cond3A_37 : i32
    scf.if %cond3A_38 {
      %get3A_39 = arith.constant 0 : index
      %get3A_40 = memref.load %arg6[%get3A_39] : memref<1xf32, #tpu.memory_space<smem>>
      %swap3A_41 = arith.constant 0 : index
      %swap3A_42 = arith.constant 0 : index
      %swap3A_43 = memref.load %arg4[%swap3A_41, %swap3A_42] : memref<1x1xf32, #tpu.memory_space<smem>>
      memref.store %get3A_40, %arg4[%swap3A_41, %swap3A_42] : memref<1x1xf32, #tpu.memory_space<smem>>
      %get3A_44 = arith.constant 0 : index
      %get3A_45 = memref.load %arg7[%get3A_44] : memref<1xi32, #tpu.memory_space<smem>>
      %swap3A_46 = arith.constant 0 : index
      %swap3A_47 = arith.constant 0 : index
      %swap3A_48 = memref.load %arg5[%swap3A_46, %swap3A_47] : memref<1x1xi32, #tpu.memory_space<smem>>
      memref.store %get3A_45, %arg5[%swap3A_46, %swap3A_47] : memref<1x1xi32, #tpu.memory_space<smem>>
    } else {
    }
    return
  }
  func.func @transform_0(%arg0: i32) -> (i32, i32) {
    %c0_i32 = arith.constant 0 : i32
    %c0_i32_0 = arith.constant 0 : i32
    return %arg0, %c0_i32 : i32, i32
  }
  func.func @transform_1(%arg0: i32) -> (i32, i32) {
    %c0_i32 = arith.constant 0 : i32
    %c0_i32_0 = arith.constant 0 : i32
    return %arg0, %c0_i32 : i32, i32
  }
  func.func @transform_2(%arg0: i32) -> (i32, i32) {
    %c0_i32 = arith.constant 0 : i32
    %c0_i32_0 = arith.constant 0 : i32
    return %arg0, %c0_i32 : i32, i32
  }
  func.func @transform_3(%arg0: i32) -> (i32, i32) {
    %c0_i32 = arith.constant 0 : i32
    %c0_i32_0 = arith.constant 0 : i32
    %c0_i32_1 = arith.constant 0 : i32
    return %c0_i32, %c0_i32_0 : i32, i32
  }
  func.func @transform_4(%arg0: i32) -> (i32, i32) {
    %c0_i32 = arith.constant 0 : i32
    %c0_i32_0 = arith.constant 0 : i32
    %c0_i32_1 = arith.constant 0 : i32
    return %c0_i32, %c0_i32_0 : i32, i32
  }
}

</mosaic_0001>

<sc_bundles>
// kernel: kernel.4.cloned.1.call-start
scs
__scs_entry_jumppad:
0x0: {  	(pc) =	sbr.rel $0x88, $3  }
0x1: {  	(tag) =	ssettag $0x0;
	lr =	simm.s32 $0x1  }
0x2: {  	[smem:$0x3F9E] =	sst lr;
	_ =	strace $0xD0000000  }
0x3: {  	_ = 	snop  }
0x4: {  	_ = 	snop  }
0x5: {  	_ = 	snop  }
0x6: {  	_ = 	snop  }
0x7: {  	_ = 	snop  }
__scs_overlays_trampoline_lowered:
0x8: {  	[smem:$0x3FAD] =	sst s0  }
0x9: {  	[smem:$0x3FAE] =	sst s1  }
0xa: {  	[smem:$0x3FAF] =	sst s2  }
0xb: {  	[smem:$0x3FB0] =	sst s3  }
0xc: {  	[smem:$0x3FB1] =	sst s4  }
0xd: {  	[smem:$0x3FB2] =	sst s5  }
0xe: {  	[smem:$0x3FB3] =	sst s6  }
0xf: {  	[smem:$0x3FB4] =	sst s7  }
0x10: {  	[smem:$0x3FB5] =	sst s8  }
0x11: {  	[smem:$0x3FB6] =	sst s9;
	s0 =	simm.s32 @!p0 $0x0  }
0x12: {  	s1 =	sld [smem:$0x3F9C];
	s0 =	simm.s32 @p0 $0x1  }
0x13: {  	[smem:$0x3FB7] =	sst s0;
	s0 =	simm.s32 @!p1 $0x0  }
0x14: {  	s2 =	sld [smem:$0x3F9B];
	s0 =	simm.s32 @p1 $0x1  }
0x15: {  	[smem:$0x3FB8] =	sst s0;
	s0 =	simm.s32 @!p2 $0x0  }
0x16: {  	s3 =	sld [smem:$0x3FDB];
	s0 =	simm.s32 @p2 $0x1  }
0x17: {  	s4 =	simm.s32 $0x1BF5;
	[smem:$0x3FBA] =	sst s0  }
0x18: {  	s0 =	sld [smem:$0x3F9D];
	_ =	swait.ge [sflag:s4], $0x0  }
0x19: {  	s7 =	sld [smem:$0x3F9E]  }
0x1a: {  	s8 =	sadd.s32 $0xFFFFE003, lr  }
0x1b: {  	s9 =	sadd.s32 $0xFFFFFEF7, lr;
	s5 =	simm.s32 $0xFFFFFFFF;
	p2 =	slt.u32 s8, $0xFFFFF086  }
0x1c: {  	p1 =	slt.u32 s9, $0xF7A;
	s5 =	simm.s32 @!p2 $0x0  }
0x1d: {  	s5 =	simm.s32 @p1 $0x1;
	p0 =	seq.s32 s7, s2  }
0x1e: {  	s7 =	smul.u32 @!p0 $0xF7A, s2;
	p2 =	seq.s32 @!p0 s5, $0x0  }
0x1f: {  	s9 =	smul.u32 $0xF7A, s1;
	s8 =	simm.s32 @!p0 $0x1BF5;
	p2 =	por !p2, p0  }
0x20: {  	[sflag:s8] =	ssyncset.s32 @!p0 $0xFFFFF086;
	s6 =	sadd.s32 @!p0 s3, s7;
	s7 =	simm.s32 @!p0 $0x108  }
0x21: {  	s3 =	sadd.s32 s3, s9;
	s6 =	sadd.s32 @!p0 $0x88, s6;
	s7 =	simm.s32 @p2 $0x1082  }
0x22: {  	[simem:s7], [sflag:s8] =	dma.local @!p0 [hbm:s6], $0xF7A  }
0x23: {  	s9 =	sor.u32 $0xD0000000, s2;
	s6 =	simm.s32 $0x108;
	_ =	swait.ge @!p0 [sflag:s8], $0x0  }
0x24: {  	s3 =	sadd.s32 $0x88, s3;
	s6 =	simm.s32 @!p1 $0x1082;
	[sflag:s4] =	ssyncset.s32 $0xFFFFF086  }
0x25: {  	[simem:s6], [sflag:s4] =	dma.local [hbm:s3], $0xF7A  }
0x26: {  	[smem:$0x3F9E] =	sst s1;
	(tag) =	ssettag s2;
	_ =	strace s9  }
0x27: {  	s1 =	sld [smem:$0x3FAE]  }
0x28: {  	s2 =	sld [smem:$0x3FAF]  }
0x29: {  	s4 =	sld [smem:$0x3FB1]  }
0x2a: {  	p0 =	seq.s32 s5, $0x0;
	s5 =	sld [smem:$0x3FB2]  }
0x2b: {  	s6 =	sld [smem:$0x3FB3]  }
0x2c: {  	s7 =	sld [smem:$0x3FB4]  }
0x2d: {  	s3 =	simm.s32 $0x108;
	s8 =	sld [smem:$0x3FB5]  }
0x2e: {  	s3 =	simm.s32 @!p0 $0x1082;
	s9 =	sld [smem:$0x3FB6]  }
0x2f: {  	lr =	sadd.s32 s0, s3;
	s0 =	sld [smem:$0x3FAD]  }
0x30: {  	s3 =	sld [smem:$0x3FB0]  }
0x31: {  	[smem:$0x3FB9] =	sst s10  }
0x32: {  	s10 =	sld [smem:$0x3FB7];
	_ =	sdelay $0x3  }
0x33: {  	p0 =	seq.s32 s10, $0x1;
	s10 =	sld [smem:$0x3FB9];
	_ =	sdelay $0x3  }
0x34: {  	[smem:$0x3FB9] =	sst s10  }
0x35: {  	s10 =	sld [smem:$0x3FB8];
	_ =	sdelay $0x3  }
0x36: {  	p1 =	seq.s32 s10, $0x1;
	s10 =	sld [smem:$0x3FB9];
	_ =	sdelay $0x3  }
0x37: {  	[smem:$0x3FB9] =	sst s10  }
0x38: {  	s10 =	sld [smem:$0x3FBA]  }
0x39: {  	_ = 	snop;
	(pc) =	sbr.ind lr, $3  }
0x3a: {  	_ = 	snop  }
0x3b: {  	_ = 	snop  }
0x3c: {  	p2 =	seq.s32 s10, $0x1;
	s10 =	sld [smem:$0x3FB9]  }
0x3d: {  	_ =	shalt  }
0x3e: {  	_ =	shalt  }
0x3f: {  	_ =	shalt  }
0x40: {  	_ =	shalt  }
0x41: {  	_ =	shalt  }
0x42: {  	_ =	shalt  }
0x43: {  	_ =	shalt  }
0x44: {  	_ =	shalt  }
0x45: {  	_ =	shalt  }
0x46: {  	_ =	shalt  }
0x47: {  	_ =	shalt  }
0x48: {  	_ =	shalt  }
0x49: {  	_ =	shalt  }
0x4a: {  	_ =	shalt  }
0x4b: {  	_ =	shalt  }
0x4c: {  	_ =	shalt  }
0x4d: {  	_ =	shalt  }
0x4e: {  	_ =	shalt  }
0x4f: {  	_ =	shalt  }
0x50: {  	_ =	shalt  }
0x51: {  	_ =	shalt  }
0x52: {  	_ =	shalt  }
0x53: {  	_ =	shalt  }
0x54: {  	_ =	shalt  }
0x55: {  	_ =	shalt  }
0x56: {  	_ =	shalt  }
0x57: {  	_ =	shalt  }
0x58: {  	_ =	shalt  }
0x59: {  	_ =	shalt  }
0x5a: {  	_ =	shalt  }
0x5b: {  	_ =	shalt  }
0x5c: {  	_ =	shalt  }
0x5d: {  	_ =	shalt  }
0x5e: {  	_ =	shalt  }
0x5f: {  	_ =	shalt  }
0x60: {  	_ =	shalt  }
0x61: {  	_ =	shalt  }
0x62: {  	_ =	shalt  }
0x63: {  	_ =	shalt  }
0x64: {  	_ =	shalt  }
0x65: {  	_ =	shalt  }
0x66: {  	_ =	shalt  }
0x67: {  	_ =	shalt  }
0x68: {  	_ =	shalt  }
0x69: {  	_ =	shalt  }
0x6a: {  	_ =	shalt  }
0x6b: {  	_ =	shalt  }
0x6c: {  	_ =	shalt  }
0x6d: {  	_ =	shalt  }
0x6e: {  	_ =	shalt  }
0x6f: {  	_ =	shalt  }
0x70: {  	_ =	shalt  }
0x71: {  	_ =	shalt  }
0x72: {  	_ =	shalt  }
0x73: {  	_ =	shalt  }
0x74: {  	_ =	shalt  }
0x75: {  	_ =	shalt  }
0x76: {  	_ =	shalt  }
0x77: {  	_ =	shalt  }
0x78: {  	_ =	shalt  }
0x79: {  	_ =	shalt  }
0x7a: {  	_ =	shalt  }
0x7b: {  	_ =	shalt  }
0x7c: {  	_ =	shalt  }
0x7d: {  	_ =	shalt  }
0x7e: {  	_ =	shalt  }
0x7f: {  	_ =	shalt  }
0x80: {  	_ =	shalt  }
0x81: {  	_ =	shalt  }
0x82: {  	_ =	shalt  }
0x83: {  	_ =	shalt  }
0x84: {  	_ =	shalt  }
0x85: {  	_ =	shalt  }
0x86: {  	_ =	shalt  }
0x87: {  	_ =	shalt  }
.Lfunc_end0:
.L_simem_size_0:
called_computation_lowered:
.L_overlay_start_0:
0x88: {  	s2 =	sld [smem:$0x3FD9]  }
0x89: {  	s3 =	sld [smem:$0x3FFE];
	_ =	sdelay $0x1  }
0x8a: {  	s1 =	srdreg.scid  }
0x8b: {  	s0 =	sand.u32 $0x1, s1  }
0x8c: {  	s17 =	sshll.u32 s0, $0xA;
	s2 =	sadd.s32 s3, s2  }
0x8d: {  	s2 =	sadd.s32 s2, s17  }
0x8e: {  	[smem:$0x3FC5] =	sst s2  }
0x8f: {  	_ = 	snop  }
0x90: {  	s2 =	sld [smem:$0x3FC9]  }
0x91: {  	s18 =	sld [smem:$0x3FC8];
	(tm) =	ssettm $0x1  }
0x92: {  	s4 =	sld [smem:$0x3FFB];
	_ =	sdelay $0x3  }
0x93: {  	_ =	strace s4  }
0x94: {  	s4 =	sld [smem:$0x3FFC];
	_ =	sdelay $0x3  }
0x95: {  	_ =	strace s4  }
0x96: {  	s4 =	sld [smem:$0x3FFD];
	_ =	sdelay $0x3  }
0x97: {  	_ =	strace s4  }
0x98: {  	_ =	strace $0x8FFFFFFF  }
0x99: {  	s19 =	sld [smem:$0x3FDB];
	_ =	sdelay $0x1  }
0x9a: {  	s5 =	simm.s32 $_scs_section_size  }
0x9b: {  	s6 =	simm.s32 $_size__tile_overlayer_lowered;
	s7 =	simm.s32 $_tile_overlayer_lowered  }
0x9c: {  	s22 =	simm.s32 $0x1BFF;
	s21 =	sshll.u32 s7, $0x1;
	s4 =	sadd.s32 s5, s19  }
0x9d: {  	s8 =	simm.s32 $0x0;
	s20 =	sshll.u32 s6, $0x1;
	s6 =	sadd.s32 s21, s4  }
0x9e: {  	[timem:s8], [sflag:s22] =	dma.local [hbm:s6], s20  }
0x9f: {  	_ =	swait.ge [sflag:s22], s20  }
0xa0: {  	s5 =	ssub.s32 $0x0, s20;
	[sflag:s22] =	ssyncset.done $0x0  }
0xa1: {  	[sflag:s22] =	ssyncadd.s32 s5;
	_ =	sdelay $0x1  }
0xa2: {  	s23 =	simm.s32 $0x1B8B  }
0xa3: {  	_ =	swait.ge [sflag:s23], $0x1  }
0xa4: {  	[sflag:s23] =	ssyncset.done $0x0  }
0xa5: {  	s25 =	simm.s32 $0x1B8E;
	s24 =	sld [smem:$0x3FFE];
	[sflag:s23] =	ssyncadd.s32 $0xFFFFFFFF  }
0xa6: {  	s26 =	simm.s32 $execute0_lowered;
	[smem:$0x3FD2] =	sst s25  }
0xa7: {  	s6 =	sshll.u32 s26, $0x1;
	_ =	strace $0x80000046;
	[dreg:$0x1] =	wrdreg $0xFFFFFFFF  }
0xa8: {  	s28 =	simm.s32 $_size_execute0_lowered;
	s4 =	sadd.s32 s4, s6;
	[dreg:$0x0] =	wrdreg $0x0  }
0xa9: {  	s6 =	sshll.u32 s28, $0x1;
	[dreg:$0x2] =	wrdreg s4  }
0xaa: {  	[dreg:$0x3] =	wrdreg s6  }
0xab: {  	[dreg:$0x4] =	wrdreg $0xC0  }
0xac: {  	_ =	task [dreg:s8], $0x5FFFF  }
0xad: {  	[dreg:$0x1] =	wrdreg $0xFFFFFFFF  }
0xae: {  	[dreg:$0x0] =	wrdreg $0x60  }
0xaf: {  	[dreg:$0x2] =	wrdreg s2  }
0xb0: {  	[dreg:$0x3] =	wrdreg s18  }
0xb1: {  	[dreg:$0x4] =	wrdreg s24  }
0xb2: {  	[dreg:$0x5] =	wrdreg $0x9  }
0xb3: {  	_ =	task.clear_ibuf [dreg:s8], $0x6FFFF;
	_ =	strace $0x90000046  }
0xb4: {  	s29 =	simm.s32 $0x9;
	_ =	strace $0x80000048  }
0xb5: {  	_ =	swait.ge [sflag:s29], $0x1  }
0xb6: {  	[sflag:s29] =	ssyncadd.s32 $0xFFFFFFFF  }
0xb7: {  	_ =	strace $0x90000048  }
0xb8: {  	_ =	sfence  }
0xb9: {  	s30 =	sld [smem:$0x0];
	_ =	sdelay $0x2  }
0xba: {  	s31 =	sshll.u32 s1, $0xD;
	s1 =	sshrl.u32 s1, $0x2  }
0xbb: {  	s3 =	sand.u32 $0x4000, s31;
	s1 =	sadd.s32 s1, s30  }
0xbc: {  	s0 =	sor.u32 s3, s0;
	s1 =	sshll.u32 s1, $0x11  }
0xbd: {  	s0 =	sor.u32 s1, s0  }
0xbe: {  	s0 =	sadd.s32 $0x8F2B, s0  }
0xbf: {  	[sflag:s0] =	ssyncadd.remote.s32 $0x1  }
0xc0: {  	_ =	sfence.sel $0xFFFF  }
0xc1: {  	[dreg:$0x0] =	wrdreg $0xFFFFFFFF;
	(pc) =	sbr.abs _section_cstart, $3  }
0xc2: {  	[dreg:$0x1] =	wrdreg $0xFFFFFFFF  }
0xc3: {  	_ =	task.clear_ibuf [dreg:s8], $0x2FFFF;
	_ =	strace $0x9FFFFFFF  }
0xc4: {  	(tm) =	ssettm $0x7FFFFFFF  }
0xc5: {  	_ =	shalt  }
tec
execute0_lowered:
.L_overlay_start_1:
0x0: {  	(tag) =	ssettag $0x1  }
0x1: {  	s10 =	rddreg [dreg:$0x0]  }
0x2: {  	s9 =	rddreg [dreg:$0x1];
	s0 =	srdreg.scid  }
0x3: {  	s2 =	stileid.u32;
	s1 =	rddreg [dreg:$0x2];
	s4 =	simm.s32 $0x0  }
0x4: {  	s31 =	simm.s32 $0x1;
	[smem:$0x7FF] =	sst s4;
	s17 =	sadd.s32 $0x200080, s1  }
0x5: {  	s0 =	sand.u32 $0x1, s0;
	s20 =	sadd.s32 $0x200100, s1;
	s25 =	sadd.s32 $0x200180, s1  }
0x6: {  	s11 =	sadd.s32 $0x200000, s1;
	s26 =	sadd.s32 $0x200200, s1;
	s28 =	sadd.s32 $0x200280, s1  }
0x7: {  	s2 =	sshll.u32 s2, $0x1;
	s29 =	sadd.s32 $0x200300, s1;
	s22 =	sadd.s32 $0x200040, s1  }
0x8: {  	s23 =	sadd.s32 $0x2000C0, s1;
	_ =	strace $0x80000047;
	[dreg:$0x4] =	wrdreg s22  }
0x9: {  	s30 =	sadd.s32 $0x200380, s1;
	s12 =	sadd.s32 $0x200140, s1;
	[dreg:$0x5] =	wrdreg s23  }
0xa: {  	s13 =	sadd.s32 $0x2001C0, s1;
	s14 =	sadd.s32 $0x200240, s1;
	[dreg:$0x7] =	wrdreg s12  }
0xb: {  	s15 =	sadd.s32 $0x2002C0, s1;
	s2 =	sor.u32 s0, s2;
	[dreg:$0x8] =	wrdreg s13  }
0xc: {  	s0 =	ssub.s32 $0x2, s0;
	s12 =	smov.u32 s9;
	[dreg:$0xa] =	wrdreg s14  }
0xd: {  	[dreg:$0xb] =	wrdreg s15;
	s23 =	sadd.s32 $0x200340, s1;
	s5 =	smul.u32 $0x70, s2  }
0xe: {  	s13 =	smov.u32 s11;
	s3 =	sshll.u32 s2, $0x4;
	s2 =	smul.u32 $0x3800, s2  }
0xf: {  	s14 =	smov.u32 s17;
	s15 =	smov.u32 s20;
	s8 =	sshrl.u32 s0, $0x1  }
0x10: {  	s3 =	sadd.s32 s3, s1;
	s0 =	ssub.s32 s0, s8;
	s16 =	sadd.s32 s11, s2  }
0x11: {  	s7 =	sadd.s32 $0x3200, s5;
	s17 =	sadd.s32 s2, s17;
	[dreg:$0xc] =	wrdreg s16  }
0x12: {  	s18 =	sadd.s32 s2, s20;
	s19 =	sadd.s32 s2, s25;
	[dreg:$0xd] =	wrdreg s17  }
0x13: {  	s20 =	sadd.s32 s2, s26;
	s21 =	sadd.s32 s2, s28;
	[dreg:$0xe] =	wrdreg s18  }
0x14: {  	s22 =	sadd.s32 s2, s29;
	s0 =	smax.u32 s0, $0x1;
	[dreg:$0xf] =	wrdreg s19  }
0x15: {  	s6 =	sshll.u32 s7, $0x9;
	s16 =	smov.u32 s25;
	[dreg:$0x10] =	wrdreg s20  }
0x16: {  	s18 =	smov.u32 s26;
	s19 =	smov.u32 s28;
	[dreg:$0x11] =	wrdreg s21  }
0x17: {  	s21 =	smov.u32 s29;
	[dreg:$0x12] =	wrdreg s22;
	s22 =	smov.u32 s30  }
0x18: {  	s25 =	sadd.s32 s2, s30;
	s26 =	sadd.s32 $0x270200, s3;
	s30 =	sadd.s32 $0x270000, s3  }
0x19: {  	[dreg:$0x16] =	wrdreg s0;
	s28 =	simm.s32 $0x4000;
	s29 =	simm.s32 $0xC000  }
0x1a: {  	s2 =	simm.s32 $0x3;
	s0 =	simm.s32 $0x5;
	[dreg:$0x13] =	wrdreg s25  }
0x1b: {  	v0 =	vlaneseq.u32;
	s17 =	simm.s32 $0x2;
	s20 =	simm.s32 $0x4;
	[dreg:$0x14] =	wrdreg s26  }
0x1c: {  	v0 =	vmul.u32 $0x4, v0;
	s24 =	sadd.s32 s10, s6;
	s6 =	sadd.s32 s9, s6;
	[dreg:$0x15] =	wrdreg s30  }
0x1d: {  	s26 =	simm.s32 $0x8000;
	s25 =	simm.s32 $0x6;
	[dreg:$0x6] =	wrdreg s24  }
0x1e: {  	v1 =	vor.u32 $0x1, v0;
	v2 =	vor.u32 $0x2, v0;
	v3 =	vor.u32 $0x3, v0;
	[dreg:$0x9] =	wrdreg s6;
	s24 =	sadd.s32 $0x2003C0, s1;
	s6 =	simm.s32 $0x0  }
.LBB2_1:
0x1f: {  	[dreg:$0x17] =	wrdreg s6  }
0x20: {  	s1 =	rddreg [dreg:$0x6]  }
0x21: {  	[tilespmem:s4], [sflag:$0x1] =	stream.linear.gather [hbm4b:s1+s4], $0x4000, $0x38;
	[tilespmem:$0x12100] =	vst v63  }
0x22: {  	s6 =	rddreg [dreg:$0x9]  }
0x23: {  	[tilespmem:s26], [sflag:$0x3] =	stream.linear.gather [hbm4b:s6+s4], $0x4000, $0x38;
	[tilespmem:$0x12100] =	vst v63  }
0x24: {  	s8 =	rddreg [dreg:$0xc];
	s3 =	simm.s32 $0x10000  }
0x25: {  	[tilespmem:s3], [sflag:$0x5] =	stream.linear.gather [hbm4b:s8+s4], $0x200, $0x38;
	[tilespmem:$0x12100] =	vst v63  }
0x26: {  	s9 =	rddreg [dreg:$0xd];
	s11 =	simm.s32 $0x10200  }
0x27: {  	[tilespmem:s11], [sflag:$0x5] =	stream.linear.gather [hbm4b:s9+s4], $0x200, $0x38;
	[tilespmem:$0x12100] =	vst v63  }
0x28: {  	s6 =	rddreg [dreg:$0xe];
	s8 =	simm.s32 $0x10400  }
0x29: {  	[tilespmem:s8], [sflag:$0x5] =	stream.linear.gather [hbm4b:s6+s4], $0x200, $0x38;
	[tilespmem:$0x12100] =	vst v63  }
0x2a: {  	s9 =	rddreg [dreg:$0xf];
	s11 =	simm.s32 $0x10600  }
0x2b: {  	[tilespmem:s11], [sflag:$0x5] =	stream.linear.gather [hbm4b:s9+s4], $0x200, $0x38;
	[tilespmem:$0x12100] =	vst v63  }
0x2c: {  	s6 =	rddreg [dreg:$0x10];
	s8 =	simm.s32 $0x10800  }
0x2d: {  	[tilespmem:s8], [sflag:$0x5] =	stream.linear.gather [hbm4b:s6+s4], $0x200, $0x38;
	[tilespmem:$0x12100] =	vst v63  }
0x2e: {  	s9 =	rddreg [dreg:$0x11];
	s11 =	simm.s32 $0x10A00  }
0x2f: {  	[tilespmem:s11], [sflag:$0x5] =	stream.linear.gather [hbm4b:s9+s4], $0x200, $0x38;
	[tilespmem:$0x12100] =	vst v63  }
0x30: {  	s6 =	rddreg [dreg:$0x12];
	s8 =	simm.s32 $0x10C00  }
0x31: {  	[tilespmem:s8], [sflag:$0x5] =	stream.linear.gather [hbm4b:s6+s4], $0x200, $0x38;
	[tilespmem:$0x12100] =	vst v63  }
0x32: {  	s30 =	simm.s32 $0x0;
	s9 =	rddreg [dreg:$0x13];
	s11 =	simm.s32 $0x10E00  }
0x33: {  	v5 =	vimm.f32 $0.0e+00;
	v4 =	vimm.s32 $0x0;
	[tilespmem:s11], [sflag:$0x5] =	stream.linear.gather [hbm4b:s9+s4], $0x200, $0x38;
	[tilespmem:$0x12100] =	vst v63  }
.LBB2_2:
0x34: {  	s1 =	sshll.u32 s30, $0x3  }
0x35: {  	s3 =	sadd.s32 s7, s1  }
0x36: {  	s3 =	sshll.u32 s3, $0x9  }
0x37: {  	s11 =	smov.u32 s10;
	s6 =	sor.u32 $0x800, s3  }
0x38: {  	s9 =	sadd.s32 s5, s1;
	s3 =	simm.s32 $0x0;
	s8 =	sadd.s32 s10, s6  }
0x39: {  	[tilespmem:s28], [sflag:$0x2] =	stream.linear.gather [hbm4b:s8+s3], $0x4000, $0x38;
	[tilespmem:$0x12100] =	vst v63  }
0x3a: {  	s6 =	sadd.s32 s12, s6;
	s10 =	rddreg [dreg:$0x4];
	s8 =	sshll.u32 s9, $0x7  }
0x3b: {  	[tilespmem:s29], [sflag:$0x4] =	stream.linear.gather [hbm4b:s6+s3], $0x4000, $0x38;
	[tilespmem:$0x12100] =	vst v63  }
0x3c: {  	s9 =	simm.s32 $0x11000;
	s6 =	sadd.s32 s8, s10  }
0x3d: {  	[tilespmem:s9], [sflag:$0x6] =	stream.linear.gather [hbm4b:s6+s3], $0x200, $0x38;
	[tilespmem:$0x12100] =	vst v63  }
0x3e: {  	s9 =	rddreg [dreg:$0x5]  }
0x3f: {  	s10 =	simm.s32 $0x11200;
	s6 =	sadd.s32 s8, s9;
	s9 =	rddreg [dreg:$0x7]  }
0x40: {  	[tilespmem:s10], [sflag:$0x6] =	stream.linear.gather [hbm4b:s6+s3], $0x200, $0x38;
	[tilespmem:$0x12100] =	vst v63  }
0x41: {  	s6 =	sadd.s32 s8, s9;
	s10 =	simm.s32 $0x11400;
	s9 =	rddreg [dreg:$0x8]  }
0x42: {  	[tilespmem:s10], [sflag:$0x6] =	stream.linear.gather [hbm4b:s6+s3], $0x200, $0x38;
	[tilespmem:$0x12100] =	vst v63  }
0x43: {  	s6 =	sadd.s32 s8, s9;
	s10 =	simm.s32 $0x11600;
	s9 =	rddreg [dreg:$0xa]  }
0x44: {  	[tilespmem:s10], [sflag:$0x6] =	stream.linear.gather [hbm4b:s6+s3], $0x200, $0x38;
	[tilespmem:$0x12100] =	vst v63  }
0x45: {  	s6 =	sadd.s32 s8, s9;
	s10 =	simm.s32 $0x11800;
	s9 =	rddreg [dreg:$0xb]  }
0x46: {  	[tilespmem:s10], [sflag:$0x6] =	stream.linear.gather [hbm4b:s6+s3], $0x200, $0x38;
	[tilespmem:$0x12100] =	vst v63  }
0x47: {  	s6 =	sadd.s32 s8, s9;
	s10 =	simm.s32 $0x11A00  }
0x48: {  	[tilespmem:s10], [sflag:$0x6] =	stream.linear.gather [hbm4b:s6+s3], $0x200, $0x38;
	[tilespmem:$0x12100] =	vst v63  }
0x49: {  	s9 =	sadd.s32 s8, s23;
	s10 =	simm.s32 $0x11C00  }
0x4a: {  	[tilespmem:s10], [sflag:$0x6] =	stream.linear.gather [hbm4b:s9+s3], $0x200, $0x38;
	[tilespmem:$0x12100] =	vst v63  }
0x4b: {  	s9 =	sadd.s32 s8, s24;
	s10 =	simm.s32 $0x11E00  }
0x4c: {  	[tilespmem:s10], [sflag:$0x6] =	stream.linear.gather [hbm4b:s9+s3], $0x200, $0x38;
	[tilespmem:$0x12100] =	vst v63  }
0x4d: {  	_ =	swait.ge [sflag:s31], $0x4000  }
0x4e: {  	[sflag:s31] =	ssyncset.done $0x0  }
0x4f: {  	[sflag:s31] =	ssyncadd.s32 $0xFFFFC000  }
0x50: {  	_ =	swait.ge [sflag:s2], $0x4000  }
0x51: {  	[sflag:s2] =	ssyncset.done $0x0  }
0x52: {  	[sflag:s2] =	ssyncadd.s32 $0xFFFFC000  }
0x53: {  	_ =	swait.ge [sflag:s0], $0x200  }
0x54: {  	[sflag:s0] =	ssyncset.done $0x0  }
0x55: {  	[sflag:s0] =	ssyncadd.s32 $0xFFFFFE00  }
0x56: {  	_ =	swait.ge [sflag:s0], $0x200  }
0x57: {  	[sflag:s0] =	ssyncset.done $0x0  }
0x58: {  	[sflag:s0] =	ssyncadd.s32 $0xFFFFFE00  }
0x59: {  	_ =	swait.ge [sflag:s0], $0x200  }
0x5a: {  	[sflag:s0] =	ssyncset.done $0x0  }
0x5b: {  	[sflag:s0] =	ssyncadd.s32 $0xFFFFFE00  }
0x5c: {  	_ =	swait.ge [sflag:s0], $0x200  }
0x5d: {  	[sflag:s0] =	ssyncset.done $0x0  }
0x5e: {  	[sflag:s0] =	ssyncadd.s32 $0xFFFFFE00  }
0x5f: {  	_ =	swait.ge [sflag:s0], $0x200  }
0x60: {  	s8 =	simm.s32 $0x0;
	[sflag:s0] =	ssyncset.done $0x0  }
0x61: {  	v6 =	vmov s8;
	[sflag:s0] =	ssyncadd.s32 $0xFFFFFE00  }
0x62: {  	v6 =	vshll.u32 v6, $0x7;
	_ =	swait.ge [sflag:s0], $0x200  }
0x63: {  	s9 =	sand.u32 $0x7C0, s3;
	v6 =	vand.u32 $0x380, v6;
	[sflag:s0] =	ssyncset.done $0x0  }
0x64: {  	v7 =	vmov s9;
	v8 =	vor.u32 s9, v0;
	v6 =	vbroadcast v6, $0x0;
	[sflag:s0] =	ssyncadd.s32 $0xFFFFFE00  }
0x65: {  	v7 =	vshll.u32 v7, $0x3;
	v8 =	vand.u32 $0x7C, v8;
	_ =	swait.ge [sflag:s0], $0x200  }
0x66: {  	v9 =	vor.u32 s9, v1;
	v7 =	vand.u32 $0x3C00, v7;
	v8 =	vor.u32 v8, v6;
	[sflag:s0] =	ssyncset.done $0x0  }
0x67: {  	v9 =	vand.u32 $0x7D, v9;
	v8 =	vor.u32 v7, v8;
	[sflag:s0] =	ssyncadd.s32 $0xFFFFFE00  }
0x68: {  	s10 =	sand.u32 $0x3E00, s3;
	s3 =	sand.u32 $0x100, s3;
	v10 =	vor.u32 s9, v2;
	v9 =	vor.u32 v9, v6;
	_ =	swait.ge [sflag:s0], $0x200  }
0x69: {  	s3 =	sor.u32 s3, s10;
	v10 =	vand.u32 $0x7E, v10;
	v9 =	vor.u32 v7, v9;
	[sflag:s0] =	ssyncset.done $0x0  }
0x6a: {  	s3 =	sshrl.u32 s3, $0x2;
	v10 =	vor.u32 v10, v6;
	[sflag:s0] =	ssyncadd.s32 $0xFFFFFE00  }
0x6b: {  	v11 =	vor.u32 s9, v3;
	v10 =	vor.u32 v7, v10;
	v12 =	vld [tilespmem:s3+$0x10000]  }
0x6c: {  	s10 =	simm.s32 $0x40;
	v11 =	vand.u32 $0x7F, v11;
	v13 =	vld.idx.msk [tilespmem:v8+s4+$0x0], $0xffff  }
0x6d: {  	s9 =	simm.s32 $0x0;
	s8 =	sand.u32 $0x7C0, s10;
	v6 =	vor.u32 v11, v6;
	v8 =	vld.idx.msk [tilespmem:v8+s26+$0x0], $0xffff  }
0x6e: {  	v14 =	vor.u32 s8, v1;
	v6 =	vor.u32 v7, v6;
	v7 =	vmov s9;
	v11 =	vld.idx.msk [tilespmem:v9+s4+$0x0], $0xffff  }
0x6f: {  	v15 =	vor.u32 s8, v2;
	v16 =	vor.u32 s8, v3;
	v7 =	vshll.u32 v7, $0x7;
	v9 =	vld.idx.msk [tilespmem:v9+s26+$0x0], $0xffff  }
0x70: {  	v17 =	vmov s8;
	v18 =	vor.u32 s8, v0;
	v7 =	vand.u32 $0x380, v7;
	v19 =	vld.idx.msk [tilespmem:v10+s4+$0x0], $0xffff  }
0x71: {  	v15 =	vand.u32 $0x7E, v15;
	v16 =	vand.u32 $0x7F, v16;
	v7 =	vbroadcast v7, $0x0;
	v10 =	vld.idx.msk [tilespmem:v10+s26+$0x0], $0xffff  }
0x72: {  	v17 =	vshll.u32 v17, $0x3;
	v14 =	vand.u32 $0x7D, v14;
	v18 =	vand.u32 $0x7C, v18  }
0x73: {  	v17 =	vand.u32 $0x3C00, v17;
	v14 =	vor.u32 v14, v7;
	v15 =	vor.u32 v15, v7  }
0x74: {  	v8 =	vsub.f32 v13, v8;
	v13 =	vor.u32 v18, v7;
	v7 =	vor.u32 v16, v7  }
0x75: {  	v18 =	vand.u32 $0x1, v12;
	v7 =	vor.u32 v17, v7  }
0x76: {  	v9 =	vsub.f32 v11, v9;
	v10 =	vsub.f32 v19, v10;
	v11 =	vor.u32 v17, v13  }
0x77: {  	v20 =	vld.idx.msk [tilespmem:v6+s4+$0x0], $0xffff;
	vm0 =	veq.s32 v18, $0x0;
	v13 =	vand.u32 $0x100, v12;
	v8 =	vmul.f32 v8, v8  }
0x78: {  	s9 =	simm.s32 $0x100;
	v6 =	vld.idx.msk [tilespmem:v6+s26+$0x0], $0xffff;
	vm9 =	veq.s32 v13, $0x0;
	v13 =	vor.u32 v17, v14;
	v14 =	vor.u32 v17, v15  }
0x79: {  	s6 =	sand.u32 $0x3E00, s10;
	s3 =	sand.u32 $0x100, s9;
	v9 =	vmul.f32 v9, v9;
	v8 =	vnsel vm0, $0x0, v8  }
0x7a: {  	s3 =	sor.u32 s3, s6;
	v10 =	vmul.f32 v10, v10;
	v5 =	vadd.f32 v8, v5;
	v8 =	vand.u32 $0x10000, v12;
	v21 =	vld.idx.msk [tilespmem:v7+s4+$0x0], $0xffff  }
0x7b: {  	s3 =	sshrl.u32 s3, $0x2;
	v9 =	vnsel vm9, $0x0, v9;
	vm10 =	veq.s32 v8, $0x0;
	v7 =	vld.idx.msk [tilespmem:v7+s26+$0x0], $0xffff  }
0x7c: {  	v5 =	vadd.f32 v9, v5;
	v8 =	vnsel vm10, $0x0, v10;
	v10 =	vld [tilespmem:s3+$0x10000]  }
0x7d: {  	v6 =	vsub.f32 v20, v6;
	v20 =	vld.idx.msk [tilespmem:v14+s4+$0x0], $0xffff  }
0x7e: {  	s10 =	simm.s32 $0x80;
	v9 =	vand.u32 $0x1000000, v12;
	v5 =	vadd.f32 v8, v5;
	v8 =	vld.idx.msk [tilespmem:v11+s4+$0x0], $0xffff  }
0x7f: {  	s9 =	sand.u32 $0x7C0, s10;
	v6 =	vmul.f32 v6, v6;
	vm11 =	veq.s32 v9, $0x0;
	v9 =	vand.u32 $0x1010101, v12;
	v11 =	vld.idx.msk [tilespmem:v11+s26+$0x0], $0xffff  }
0x80: {  	v16 =	vor.u32 s9, v2;
	v19 =	vor.u32 s9, v0;
	v15 =	vmul.u32 $0x1010101, v9;
	v9 =	vld.idx.msk [tilespmem:v13+s4+$0x0], $0xffff  }
0x81: {  	s8 =	simm.s32 $0x0;
	v18 =	vmov s9;
	v16 =	vand.u32 $0x7E, v16;
	v6 =	vnsel vm11, $0x0, v6;
	v13 =	vld.idx.msk [tilespmem:v13+s26+$0x0], $0xffff  }
0x82: {  	v19 =	vand.u32 $0x7C, v19;
	v14 =	vld.idx.msk [tilespmem:v14+s26+$0x0], $0xffff;
	v5 =	vadd.f32 v6, v5;
	v6 =	vmov s8  }
0x83: {  	v17 =	vor.u32 s9, v3;
	v18 =	vshll.u32 v18, $0x3;
	v6 =	vshll.u32 v6, $0x7  }
0x84: {  	v17 =	vand.u32 $0x7F, v17;
	v12 =	vor.u32 s9, v1;
	v6 =	vand.u32 $0x380, v6  }
0x85: {  	v18 =	vand.u32 $0x3C00, v18;
	v12 =	vand.u32 $0x7D, v12;
	v6 =	vbroadcast v6, $0x0  }
0x86: {  	v8 =	vsub.f32 v8, v11;
	v9 =	vsub.f32 v9, v13;
	v13 =	vand.u32 $0x100, v10  }
0x87: {  	v7 =	vsub.f32 v21, v7;
	v14 =	vsub.f32 v20, v14;
	vm13 =	veq.s32 v13, $0x0  }
0x88: {  	v11 =	vor.u32 v19, v6;
	v19 =	vand.u32 $0x1, v10;
	v8 =	vmul.f32 v8, v8  }
0x89: {  	v13 =	vmul.f32 v14, v14;
	v12 =	vor.u32 v12, v6;
	vm12 =	veq.s32 v19, $0x0  }
0x8a: {  	s3 =	simm.s32 $0x200;
	v9 =	vmul.f32 v9, v9;
	v11 =	vor.u32 v18, v11;
	v8 =	vnsel vm12, $0x0, v8  }
0x8b: {  	s6 =	sand.u32 $0x3E00, s10;
	s10 =	sand.u32 $0x100, s3;
	v14 =	vor.u32 v18, v12;
	v12 =	vand.u32 $0x1000000, v10;
	v5 =	vadd.f32 v8, v5  }
0x8c: {  	s6 =	sor.u32 s10, s6;
	v9 =	vnsel vm13, $0x0, v9;
	vm15 =	veq.s32 v12, $0x0;
	v8 =	vand.u32 $0x10000, v10  }
0x8d: {  	s6 =	sshrl.u32 s6, $0x2;
	vm14 =	veq.s32 v8, $0x0;
	v8 =	vor.u32 v16, v6;
	v5 =	vadd.f32 v9, v5  }
0x8e: {  	v9 =	vnsel vm14, $0x0, v13;
	v13 =	vmul.f32 v7, v7;
	v7 =	vld [tilespmem:s6+$0x10000];
	v16 =	vor.u32 v18, v8  }
0x8f: {  	v6 =	vor.u32 v17, v6;
	v8 =	vand.u32 $0x1010101, v10;
	s6 =	simm.s32 $0xC0;
	v5 =	vadd.f32 v9, v5;
	v9 =	vld.idx.msk [tilespmem:v11+s4+$0x0], $0xffff  }
0x90: {  	s9 =	simm.s32 $0x0;
	v10 =	vor.u32 v18, v6;
	v6 =	vmul.u32 $0x1010101, v8;
	s10 =	sand.u32 $0x7C0, s6;
	v12 =	vnsel vm15, $0x0, v13;
	v11 =	vld.idx.msk [tilespmem:v11+s26+$0x0], $0xffff  }
0x91: {  	v13 =	vmov s9;
	v21 =	vor.u32 s10, v1;
	v8 =	vadd.f32 v12, v5;
	v12 =	vld.idx.msk [tilespmem:v14+s4+$0x0], $0xffff  }
0x92: {  	v17 =	vor.u32 s10, v2;
	v18 =	vor.u32 s10, v3;
	v5 =	vshra.s32 v15, $0x18;
	v15 =	vld.idx.msk [tilespmem:v14+s26+$0x0], $0xffff  }
0x93: {  	v22 =	vmov s10;
	v20 =	vor.u32 s10, v0;
	v13 =	vshll.u32 v13, $0x7;
	v14 =	vld.idx.msk [tilespmem:v16+s4+$0x0], $0xffff  }
0x94: {  	v19 =	vand.u32 $0x7E, v17;
	v17 =	vand.u32 $0x7F, v18;
	v13 =	vand.u32 $0x380, v13;
	v16 =	vld.idx.msk [tilespmem:v16+s26+$0x0], $0xffff  }
0x95: {  	s8 =	simm.s32 $0x4;
	v22 =	vshll.u32 v22, $0x3;
	v21 =	vand.u32 $0x7D, v21;
	v18 =	vbroadcast v13, $0x0;
	v13 =	vld.idx.msk [tilespmem:v10+s4+$0x0], $0xffff  }
.LBB2_3:
0x96: {  	p0 =	sne.s32 s8, $0xFF;
	v20 =	vand.u32 $0x7C, v20;
	v22 =	vand.u32 $0x3C00, v22;
	v9 =	vsub.f32 v9, v11;
	v10 =	vld.idx.msk [tilespmem:v10+s26+$0x0], $0xffff  }
0x97: {  	v11 =	vor.u32 v20, v18;
	v20 =	vor.u32 v21, v18;
	v19 =	vor.u32 v19, v18  }
0x98: {  	v21 =	vand.u32 $0x1, v7;
	v12 =	vsub.f32 v12, v15;
	v9 =	vmul.f32 v9, v9  }
0x99: {  	v15 =	vand.u32 $0x100, v7;
	v11 =	vor.u32 v22, v11;
	vm0 =	veq.s32 v21, $0x0  }
0x9a: {  	v12 =	vmul.f32 v12, v12;
	v14 =	vsub.f32 v14, v16;
	v9 =	vnsel vm0, $0x0, v9  }
0x9b: {  	s3 =	sadd.s32 $0x100, s3;
	vm0 =	veq.s32 v15, $0x0;
	v8 =	vadd.f32 v9, v8;
	v9 =	vand.u32 $0x10000, v7  }
0x9c: {  	s9 =	sand.u32 $0x3E00, s6;
	s10 =	sand.u32 $0x100, s3;
	v12 =	vnsel vm0, $0x0, v12;
	v14 =	vmul.f32 v14, v14;
	v10 =	vsub.f32 v13, v10  }
0x9d: {  	s9 =	sor.u32 s10, s9;
	v13 =	vor.u32 v22, v20;
	vm0 =	veq.s32 v9, $0x0;
	v8 =	vadd.f32 v12, v8  }
0x9e: {  	s9 =	sshrl.u32 s9, $0x2;
	v9 =	vnsel vm0, $0x0, v14;
	v12 =	vand.u32 $0x1000000, v7;
	v10 =	vmul.f32 v10, v10  }
0x9f: {  	v21 =	vor.u32 v22, v19;
	vm0 =	veq.s32 v12, $0x0;
	v16 =	vld [tilespmem:s9+$0x10000];
	v8 =	vadd.f32 v9, v8  }
0xa0: {  	v7 =	vand.u32 $0x1010101, v7;
	v12 =	vor.u32 v17, v18;
	v14 =	vnsel vm0, $0x0, v10;
	v9 =	vld.idx.msk [tilespmem:v11+s4+$0x0], $0xffff  }
0xa1: {  	s6 =	sadd.s32 $0x40, s6;
	s9 =	sshrl.u32 s8, $0x5;
	v10 =	vor.u32 v22, v12;
	v22 =	vmul.u32 $0x1010101, v7;
	v11 =	vld.idx.msk [tilespmem:v11+s26+$0x0], $0xffff;
	v8 =	vadd.f32 v14, v8  }
.Ltmp0:
0xa2: {  	v4 =	vadd.s32 v4, v5;
	v5 =	vshra.s32 v6, $0x18;
	v14 =	vmov s9;
	s9 =	sand.u32 $0x7C0, s6;
	v12 =	vld.idx.msk [tilespmem:v13+s4+$0x0], $0xffff;
	(pc) =	sbr.rel @p0 .LBB2_3-.Ltmp0, $4  }
0xa3: {  	v6 =	vmovc v22;
	v23 =	vor.u32 s9, v1;
	v17 =	vor.u32 s9, v2;
	v18 =	vor.u32 s9, v3;
	v15 =	vld.idx.msk [tilespmem:v13+s26+$0x0], $0xffff  }
0xa4: {  	v20 =	vor.u32 s9, v0;
	v19 =	vshll.u32 v14, $0x7;
	v13 =	vmov s9;
	v14 =	vld.idx.msk [tilespmem:v21+s4+$0x0], $0xffff;
	v7 =	vmovc v16  }
0xa5: {  	v24 =	vand.u32 $0x380, v19;
	v19 =	vand.u32 $0x7E, v17;
	v17 =	vand.u32 $0x7F, v18;
	v16 =	vld.idx.msk [tilespmem:v21+s26+$0x0], $0xffff  }
0xa6: {  	s8 =	sadd.s32 $0x1, s8;
	v22 =	vshll.u32 v13, $0x3;
	v18 =	vbroadcast v24, $0x0;
	v21 =	vand.u32 $0x7D, v23;
	v13 =	vld.idx.msk [tilespmem:v10+s4+$0x0], $0xffff  }
0xa7: {  	v20 =	vand.u32 $0x7C, v20  }
0xa8: {  	v22 =	vand.u32 $0x3C00, v22;
	v20 =	vor.u32 v20, v18  }
0xa9: {  	s3 =	sadd.s32 $0x100, s3;
	v20 =	vor.u32 v22, v20  }
0xaa: {  	s6 =	sand.u32 $0x3E00, s6;
	v21 =	vor.u32 v21, v18;
	s3 =	sand.u32 $0x100, s3  }
0xab: {  	s3 =	sor.u32 s3, s6;
	v21 =	vor.u32 v22, v21  }
0xac: {  	v23 =	vld.idx.msk [tilespmem:v10+s26+$0x0], $0xffff;
	v19 =	vor.u32 v19, v18;
	s3 =	sshrl.u32 s3, $0x2  }
0xad: {  	v19 =	vor.u32 v22, v19;
	v10 =	vld [tilespmem:s3+$0x10000]  }
0xae: {  	v17 =	vor.u32 v17, v18;
	v24 =	vld.idx.msk [tilespmem:v20+s4+$0x0], $0xffff  }
0xaf: {  	v17 =	vor.u32 v22, v17;
	v18 =	vld.idx.msk [tilespmem:v20+s26+$0x0], $0xffff  }
0xb0: {  	p0 =	seq.s32 s30, $0xD;
	v20 =	vld.idx.msk [tilespmem:v21+s4+$0x0], $0xffff  }
0xb1: {  	s1 =	sadd.s32 @!p0 $0x8, s1;
	v21 =	vld.idx.msk [tilespmem:v21+s26+$0x0], $0xffff  }
0xb2: {  	s3 =	sadd.s32 @!p0 s7, s1;
	v22 =	vld.idx.msk [tilespmem:v19+s4+$0x0], $0xffff  }
0xb3: {  	s3 =	sshll.u32 @!p0 s3, $0x9;
	v19 =	vld.idx.msk [tilespmem:v19+s26+$0x0], $0xffff  }
0xb4: {  	s8 =	simm.s32 @!p0 $0x0;
	s1 =	sadd.s32 @!p0 s5, s1;
	s6 =	sadd.s32 @!p0 s11, s3;
	v25 =	vld.idx.msk [tilespmem:v17+s4+$0x0], $0xffff  }
0xb5: {  	v17 =	vld.idx.msk [tilespmem:v17+s26+$0x0], $0xffff;
	[tilespmem:s8], [sflag:$0x1] =	stream.linear.gather @!p0 [hbm4b:s6+s8], $0x4000, $0x38  }
0xb6: {  	s1 =	sshll.u32 @!p0 s1, $0x7;
	s3 =	sadd.s32 @!p0 s12, s3;
	s6 =	simm.s32 @!p0 $0x8000  }
0xb7: {  	[tilespmem:s6], [sflag:$0x3] =	stream.linear.gather @!p0 [hbm4b:s3+s8], $0x4000, $0x38;
	[tilespmem:$0x12100] =	vst v63  }
0xb8: {  	s3 =	sadd.s32 @!p0 s13, s1;
	s6 =	simm.s32 @!p0 $0x10000  }
0xb9: {  	[tilespmem:s6], [sflag:$0x5] =	stream.linear.gather @!p0 [hbm4b:s3+s8], $0x200, $0x38;
	[tilespmem:$0x12100] =	vst v63  }
0xba: {  	s3 =	sadd.s32 @!p0 s1, s14;
	s6 =	simm.s32 @!p0 $0x10200  }
0xbb: {  	[tilespmem:s6], [sflag:$0x5] =	stream.linear.gather @!p0 [hbm4b:s3+s8], $0x200, $0x38;
	[tilespmem:$0x12100] =	vst v63  }
0xbc: {  	s3 =	sadd.s32 @!p0 s1, s15;
	s6 =	simm.s32 @!p0 $0x10400  }
0xbd: {  	[tilespmem:s6], [sflag:$0x5] =	stream.linear.gather @!p0 [hbm4b:s3+s8], $0x200, $0x38;
	[tilespmem:$0x12100] =	vst v63  }
0xbe: {  	s3 =	sadd.s32 @!p0 s1, s16;
	s6 =	simm.s32 @!p0 $0x10600  }
0xbf: {  	[tilespmem:s6], [sflag:$0x5] =	stream.linear.gather @!p0 [hbm4b:s3+s8], $0x200, $0x38;
	[tilespmem:$0x12100] =	vst v63  }
0xc0: {  	s3 =	sadd.s32 @!p0 s1, s18;
	s6 =	simm.s32 @!p0 $0x10800  }
0xc1: {  	[tilespmem:s6], [sflag:$0x5] =	stream.linear.gather @!p0 [hbm4b:s3+s8], $0x200, $0x38;
	[tilespmem:$0x12100] =	vst v63  }
0xc2: {  	s3 =	sadd.s32 @!p0 s1, s19;
	s6 =	simm.s32 @!p0 $0x10A00  }
0xc3: {  	[tilespmem:s6], [sflag:$0x5] =	stream.linear.gather @!p0 [hbm4b:s3+s8], $0x200, $0x38;
	[tilespmem:$0x12100] =	vst v63  }
0xc4: {  	s3 =	sadd.s32 @!p0 s1, s21;
	s6 =	simm.s32 @!p0 $0x10C00  }
0xc5: {  	[tilespmem:s6], [sflag:$0x5] =	stream.linear.gather @!p0 [hbm4b:s3+s8], $0x200, $0x38;
	[tilespmem:$0x12100] =	vst v63  }
0xc6: {  	s1 =	sadd.s32 @!p0 s1, s22;
	s3 =	simm.s32 @!p0 $0x10E00  }
0xc7: {  	[tilespmem:s3], [sflag:$0x5] =	stream.linear.gather @!p0 [hbm4b:s1+s8], $0x200, $0x38;
	[tilespmem:$0x12100] =	vst v63  }
0xc8: {  	_ =	swait.ge [sflag:s17], $0x4000  }
0xc9: {  	[sflag:s17] =	ssyncset.done $0x0  }
0xca: {  	[sflag:s17] =	ssyncadd.s32 $0xFFFFC000  }
0xcb: {  	v9 =	vsub.f32 v9, v11;
	_ =	swait.ge [sflag:s20], $0x4000  }
0xcc: {  	v11 =	vand.u32 $0x1, v7;
	v12 =	vsub.f32 v12, v15;
	[sflag:s20] =	ssyncset.done $0x0  }
0xcd: {  	vm0 =	veq.s32 v11, $0x0;
	v9 =	vmul.f32 v9, v9;
	[sflag:s20] =	ssyncadd.s32 $0xFFFFC000  }
0xce: {  	v11 =	vsub.f32 v14, v16;
	v14 =	vand.u32 $0x100, v7;
	v12 =	vmul.f32 v12, v12;
	_ =	swait.ge [sflag:s25], $0x200  }
0xcf: {  	v6 =	vshra.s32 v6, $0x18;
	v9 =	vnsel vm0, $0x0, v9;
	vm13 =	veq.s32 v14, $0x0;
	[sflag:s25] =	ssyncset.done $0x0  }
0xd0: {  	v4 =	vadd.s32 v4, v5;
	v8 =	vadd.f32 v9, v8;
	v9 =	vnsel vm13, $0x0, v12;
	[sflag:s25] =	ssyncadd.s32 $0xFFFFFE00  }
0xd1: {  	v12 =	vand.u32 $0x10000, v7;
	v11 =	vmul.f32 v11, v11;
	v13 =	vsub.f32 v13, v23;
	_ =	swait.ge [sflag:s25], $0x200  }
0xd2: {  	v4 =	vadd.s32 v4, v6;
	vm14 =	veq.s32 v12, $0x0;
	v8 =	vadd.f32 v9, v8;
	[sflag:s25] =	ssyncset.done $0x0  }
0xd3: {  	v9 =	vnsel vm14, $0x0, v11;
	v11 =	vand.u32 $0x1000000, v7;
	v12 =	vmul.f32 v13, v13;
	[sflag:s25] =	ssyncadd.s32 $0xFFFFFE00  }
0xd4: {  	vm15 =	veq.s32 v11, $0x0;
	v8 =	vadd.f32 v9, v8;
	v9 =	vsub.f32 v24, v18;
	_ =	swait.ge [sflag:s25], $0x200  }
0xd5: {  	v7 =	vand.u32 $0x1010101, v7;
	v11 =	vnsel vm15, $0x0, v12;
	v12 =	vsub.f32 v20, v21;
	[sflag:s25] =	ssyncset.done $0x0  }
0xd6: {  	v8 =	vadd.f32 v11, v8;
	v11 =	vand.u32 $0x1, v10;
	v9 =	vmul.f32 v9, v9;
	[sflag:s25] =	ssyncadd.s32 $0xFFFFFE00  }
0xd7: {  	vm4 =	veq.s32 v11, $0x0;
	v11 =	vand.u32 $0x100, v10;
	v12 =	vmul.f32 v12, v12;
	_ =	swait.ge [sflag:s25], $0x200  }
0xd8: {  	vm5 =	veq.s32 v11, $0x0;
	v5 =	vnsel vm4, $0x0, v9;
	v9 =	vsub.f32 v22, v19;
	[sflag:s25] =	ssyncset.done $0x0  }
0xd9: {  	v7 =	vmul.u32 $0x1010101, v7;
	v11 =	vnsel vm5, $0x0, v12;
	v12 =	vsub.f32 v25, v17;
	[sflag:s25] =	ssyncadd.s32 $0xFFFFFE00  }
0xda: {  	v5 =	vadd.f32 v5, v8;
	v8 =	vand.u32 $0x10000, v10;
	v9 =	vmul.f32 v9, v9;
	_ =	swait.ge [sflag:s25], $0x200  }
0xdb: {  	v7 =	vshra.s32 v7, $0x18;
	vm6 =	veq.s32 v8, $0x0;
	v12 =	vmul.f32 v12, v12;
	s6 =	simm.s32 $0x0;
	[sflag:s25] =	ssyncset.done $0x0  }
0xdc: {  	v5 =	vadd.f32 v11, v5;
	v8 =	vnsel vm6, $0x0, v9;
	v9 =	vmov s6;
	[sflag:s25] =	ssyncadd.s32 $0xFFFFFE00  }
0xdd: {  	v11 =	vand.u32 $0x1000000, v10;
	v10 =	vand.u32 $0x1010101, v10;
	s8 =	simm.s32 $0x0;
	v9 =	vshll.u32 v9, $0x7;
	_ =	swait.ge [sflag:s25], $0x200  }
0xde: {  	vm7 =	veq.s32 v11, $0x0;
	v5 =	vadd.f32 v8, v5;
	s9 =	sand.u32 $0x7C0, s8;
	v8 =	vand.u32 $0x380, v9;
	[sflag:s25] =	ssyncset.done $0x0  }
0xdf: {  	v9 =	vmov s9;
	v8 =	vbroadcast v8, $0x0;
	v13 =	vor.u32 s9, v1;
	[sflag:s25] =	ssyncadd.s32 $0xFFFFFE00  }
0xe0: {  	v10 =	vmul.u32 $0x1010101, v10;
	v9 =	vshll.u32 v9, $0x3;
	v13 =	vand.u32 $0x7D, v13;
	_ =	swait.ge [sflag:s25], $0x200  }
0xe1: {  	v11 =	vor.u32 s9, v0;
	v9 =	vand.u32 $0x3C00, v9;
	v13 =	vor.u32 v13, v8;
	[sflag:s25] =	ssyncset.done $0x0  }
0xe2: {  	s10 =	smov.u32 s11;
	v12 =	vnsel vm7, $0x0, v12;
	v11 =	vand.u32 $0x7C, v11;
	v13 =	vor.u32 v9, v13;
	[sflag:s25] =	ssyncadd.s32 $0xFFFFFE00  }
0xe3: {  	v5 =	vadd.f32 v12, v5;
	s11 =	sand.u32 $0x3E00, s8;
	s1 =	sand.u32 $0x100, s8;
	v14 =	vor.u32 s9, v2;
	v11 =	vor.u32 v11, v8;
	_ =	swait.ge [sflag:s25], $0x200  }
0xe4: {  	s1 =	sor.u32 s1, s11;
	v12 =	vand.u32 $0x7E, v14;
	v14 =	vor.u32 s9, v3;
	v11 =	vor.u32 v9, v11;
	[sflag:s25] =	ssyncset.done $0x0  }
0xe5: {  	v4 =	vadd.s32 v4, v7;
	s1 =	sshrl.u32 s1, $0x2;
	v12 =	vor.u32 v12, v8;
	v6 =	vand.u32 $0x7F, v14;
	[sflag:s25] =	ssyncadd.s32 $0xFFFFFE00  }
0xe6: {  	v10 =	vshra.s32 v10, $0x18;
	s8 =	simm.s32 $0x0;
	s9 =	simm.s32 $0x40;
	v12 =	vor.u32 v9, v12;
	v6 =	vor.u32 v6, v8;
	v14 =	vld [tilespmem:s1+$0x11000]  }
0xe7: {  	v4 =	vadd.s32 v4, v10;
	s11 =	sand.u32 $0x7C0, s9;
	v6 =	vor.u32 v9, v6;
	v9 =	vmov s8;
	v10 =	vld.idx.msk [tilespmem:v13+s28+$0x0], $0xffff  }
0xe8: {  	v15 =	vor.u32 s11, v2;
	v9 =	vshll.u32 v9, $0x7;
	v13 =	vld.idx.msk [tilespmem:v13+s29+$0x0], $0xffff  }
0xe9: {  	v16 =	vor.u32 s11, v3;
	v17 =	vmov s11;
	v9 =	vand.u32 $0x380, v9;
	v7 =	vld.idx.msk [tilespmem:v11+s28+$0x0], $0xffff  }
0xea: {  	v18 =	vor.u32 s11, v0;
	v15 =	vand.u32 $0x7E, v15;
	v9 =	vbroadcast v9, $0x0;
	v8 =	vld.idx.msk [tilespmem:v11+s29+$0x0], $0xffff  }
0xeb: {  	v16 =	vand.u32 $0x7F, v16;
	v17 =	vshll.u32 v17, $0x3;
	v18 =	vand.u32 $0x7C, v18;
	v19 =	vld.idx.msk [tilespmem:v12+s28+$0x0], $0xffff  }
0xec: {  	v17 =	vand.u32 $0x3C00, v17;
	v15 =	vor.u32 v15, v9;
	v11 =	vor.u32 s11, v1;
	v12 =	vld.idx.msk [tilespmem:v12+s29+$0x0], $0xffff  }
0xed: {  	v20 =	vld.idx.msk [tilespmem:v6+s28+$0x0], $0xffff;
	v11 =	vand.u32 $0x7D, v11;
	v10 =	vsub.f32 v10, v13;
	v13 =	vand.u32 $0x100, v14  }
0xee: {  	v6 =	vld.idx.msk [tilespmem:v6+s29+$0x0], $0xffff;
	v11 =	vor.u32 v11, v9;
	vm9 =	veq.s32 v13, $0x0;
	v13 =	vor.u32 v17, v15  }
0xef: {  	v7 =	vsub.f32 v7, v8;
	v8 =	vor.u32 v18, v9;
	v9 =	vor.u32 v16, v9  }
0xf0: {  	v9 =	vor.u32 v17, v9  }
0xf1: {  	v18 =	vand.u32 $0x1, v14;
	v7 =	vmul.f32 v7, v7  }
0xf2: {  	v11 =	vor.u32 v17, v11;
	v12 =	vsub.f32 v19, v12;
	vm8 =	veq.s32 v18, $0x0  }
0xf3: {  	v6 =	vsub.f32 v20, v6;
	v10 =	vmul.f32 v10, v10;
	v7 =	vnsel vm8, $0x0, v7;
	v20 =	vld.idx.msk [tilespmem:v13+s28+$0x0], $0xffff  }
0xf4: {  	v8 =	vor.u32 v17, v8;
	v5 =	vadd.f32 v7, v5;
	v13 =	vld.idx.msk [tilespmem:v13+s29+$0x0], $0xffff  }
0xf5: {  	v12 =	vmul.f32 v12, v12;
	v10 =	vnsel vm9, $0x0, v10;
	v21 =	vld.idx.msk [tilespmem:v9+s28+$0x0], $0xffff  }
0xf6: {  	s8 =	simm.s32 $0x80;
	v7 =	vand.u32 $0x10000, v14;
	v9 =	vld.idx.msk [tilespmem:v9+s29+$0x0], $0xffff;
	v5 =	vadd.f32 v10, v5;
	v10 =	vand.u32 $0x1000000, v14  }
0xf7: {  	s11 =	sand.u32 $0x7C0, s8;
	vm10 =	veq.s32 v7, $0x0;
	vm11 =	veq.s32 v10, $0x0;
	v10 =	vand.u32 $0x1010101, v14;
	v14 =	vld.idx.msk [tilespmem:v11+s28+$0x0], $0xffff  }
0xf8: {  	s6 =	simm.s32 $0x100;
	v16 =	vor.u32 s11, v2;
	v19 =	vor.u32 s11, v0;
	v7 =	vnsel vm10, $0x0, v12;
	v11 =	vld.idx.msk [tilespmem:v11+s29+$0x0], $0xffff  }
0xf9: {  	s3 =	sand.u32 $0x3E00, s9;
	s1 =	sand.u32 $0x100, s6;
	v15 =	vor.u32 s11, v1;
	v6 =	vmul.f32 v6, v6;
	v5 =	vadd.f32 v7, v5;
	v7 =	vld.idx.msk [tilespmem:v8+s28+$0x0], $0xffff  }
0xfa: {  	s1 =	sor.u32 s1, s3;
	v17 =	vor.u32 s11, v3;
	v18 =	vmov s11;
	v16 =	vand.u32 $0x7E, v16;
	v8 =	vld.idx.msk [tilespmem:v8+s29+$0x0], $0xffff  }
0xfb: {  	s9 =	simm.s32 $0x0;
	s1 =	sshrl.u32 s1, $0x2;
	v19 =	vand.u32 $0x7C, v19;
	v17 =	vand.u32 $0x7F, v17;
	v6 =	vnsel vm11, $0x0, v6  }
0xfc: {  	v18 =	vshll.u32 v18, $0x3;
	v12 =	vld [tilespmem:s1+$0x11000];
	v5 =	vadd.f32 v6, v5;
	v6 =	vmov s9  }
0xfd: {  	v15 =	vand.u32 $0x7D, v15;
	v10 =	vmul.u32 $0x1010101, v10;
	v6 =	vshll.u32 v6, $0x7  }
0xfe: {  	v13 =	vsub.f32 v20, v13;
	v9 =	vsub.f32 v21, v9;
	v6 =	vand.u32 $0x380, v6  }
0xff: {  	v11 =	vsub.f32 v14, v11;
	v6 =	vbroadcast v6, $0x0;
	v7 =	vsub.f32 v7, v8  }
0x100: {  	v13 =	vmul.f32 v13, v13;
	v9 =	vmul.f32 v9, v9;
	v8 =	vand.u32 $0x3C00, v18  }
0x101: {  	v18 =	vor.u32 v19, v6;
	v19 =	vand.u32 $0x1, v12;
	v7 =	vmul.f32 v7, v7  }
0x102: {  	s1 =	simm.s32 $0x200;
	v11 =	vmul.f32 v11, v11;
	v15 =	vor.u32 v15, v6;
	vm12 =	veq.s32 v19, $0x0  }
0x103: {  	s3 =	sand.u32 $0x3E00, s8;
	s8 =	sand.u32 $0x100, s1;
	v14 =	vor.u32 v8, v18;
	v18 =	vand.u32 $0x100, v12;
	v7 =	vnsel vm12, $0x0, v7  }
0x104: {  	s3 =	sor.u32 s8, s3;
	vm13 =	veq.s32 v18, $0x0;
	v5 =	vadd.f32 v7, v5;
	v7 =	vand.u32 $0x10000, v12  }
0x105: {  	s3 =	sshrl.u32 s3, $0x2;
	v15 =	vor.u32 v8, v15;
	v11 =	vnsel vm13, $0x0, v11;
	vm14 =	veq.s32 v7, $0x0  }
0x106: {  	v7 =	vld [tilespmem:s3+$0x11000];
	s3 =	simm.s32 $0xC0;
	v5 =	vadd.f32 v11, v5;
	v11 =	vor.u32 v16, v6;
	v13 =	vnsel vm14, $0x0, v13  }
0x107: {  	v16 =	vand.u32 $0x1000000, v12;
	v6 =	vor.u32 v17, v6;
	s11 =	sand.u32 $0x7C0, s3;
	v18 =	vor.u32 v8, v11  }
0x108: {  	vm15 =	veq.s32 v16, $0x0;
	v11 =	vld.idx.msk [tilespmem:v14+s28+$0x0], $0xffff;
	v16 =	vor.u32 s11, v1;
	v21 =	vor.u32 s11, v3  }
0x109: {  	v14 =	vld.idx.msk [tilespmem:v14+s29+$0x0], $0xffff;
	v5 =	vadd.f32 v13, v5;
	v13 =	vand.u32 $0x1010101, v12;
	v12 =	vor.u32 v8, v6  }
0x10a: {  	s9 =	simm.s32 $0x0;
	v17 =	vld.idx.msk [tilespmem:v15+s29+$0x0], $0xffff;
	v22 =	vmov s11;
	v20 =	vor.u32 s11, v0;
	v9 =	vnsel vm15, $0x0, v9  }
0x10b: {  	v6 =	vmul.u32 $0x1010101, v13;
	v13 =	vld.idx.msk [tilespmem:v15+s28+$0x0], $0xffff;
	v8 =	vadd.f32 v9, v5;
	v9 =	vmov s9  }
0x10c: {  	v5 =	vshra.s32 v10, $0x18;
	v10 =	vor.u32 s11, v2;
	v9 =	vshll.u32 v9, $0x7;
	v15 =	vld.idx.msk [tilespmem:v18+s28+$0x0], $0xffff  }
0x10d: {  	v22 =	vshll.u32 v22, $0x3;
	v19 =	vand.u32 $0x7E, v10;
	v23 =	vand.u32 $0x380, v9;
	v18 =	vld.idx.msk [tilespmem:v18+s29+$0x0], $0xffff  }
0x10e: {  	s6 =	simm.s32 $0x4;
	v9 =	vand.u32 $0x7F, v21;
	v21 =	vand.u32 $0x7D, v16;
	v10 =	vbroadcast v23, $0x0;
	v16 =	vld.idx.msk [tilespmem:v12+s28+$0x0], $0xffff  }
.LBB2_5:
0x10f: {  	p0 =	sne.s32 s6, $0xFF;
	v20 =	vand.u32 $0x7C, v20;
	v22 =	vand.u32 $0x3C00, v22;
	v11 =	vsub.f32 v11, v14;
	v12 =	vld.idx.msk [tilespmem:v12+s29+$0x0], $0xffff  }
0x110: {  	v14 =	vor.u32 v20, v10;
	v20 =	vor.u32 v21, v10;
	v19 =	vor.u32 v19, v10  }
0x111: {  	v21 =	vand.u32 $0x1, v7;
	v13 =	vsub.f32 v13, v17;
	v11 =	vmul.f32 v11, v11  }
0x112: {  	v17 =	vand.u32 $0x100, v7;
	v14 =	vor.u32 v22, v14;
	vm0 =	veq.s32 v21, $0x0  }
0x113: {  	v13 =	vmul.f32 v13, v13;
	v15 =	vsub.f32 v15, v18;
	v11 =	vnsel vm0, $0x0, v11  }
0x114: {  	s1 =	sadd.s32 $0x100, s1;
	vm0 =	veq.s32 v17, $0x0;
	v8 =	vadd.f32 v11, v8;
	v11 =	vand.u32 $0x10000, v7  }
0x115: {  	s8 =	sand.u32 $0x3E00, s3;
	s9 =	sand.u32 $0x100, s1;
	v13 =	vnsel vm0, $0x0, v13;
	v15 =	vmul.f32 v15, v15;
	v12 =	vsub.f32 v16, v12  }
0x116: {  	s8 =	sor.u32 s9, s8;
	v16 =	vor.u32 v22, v20;
	vm0 =	veq.s32 v11, $0x0;
	v8 =	vadd.f32 v13, v8  }
0x117: {  	s8 =	sshrl.u32 s8, $0x2;
	v11 =	vnsel vm0, $0x0, v15;
	v13 =	vand.u32 $0x1000000, v7;
	v12 =	vmul.f32 v12, v12  }
0x118: {  	v21 =	vor.u32 v22, v19;
	vm0 =	veq.s32 v13, $0x0;
	v18 =	vld [tilespmem:s8+$0x11000];
	v8 =	vadd.f32 v11, v8  }
0x119: {  	v9 =	vor.u32 v9, v10;
	v7 =	vand.u32 $0x1010101, v7;
	v10 =	vnsel vm0, $0x0, v12;
	v11 =	vld.idx.msk [tilespmem:v14+s28+$0x0], $0xffff  }
0x11a: {  	s3 =	sadd.s32 $0x40, s3;
	v19 =	vmul.u32 $0x1010101, v7;
	s8 =	sshrl.u32 s6, $0x5;
	v12 =	vor.u32 v22, v9;
	v14 =	vld.idx.msk [tilespmem:v14+s29+$0x0], $0xffff;
	v8 =	vadd.f32 v10, v8  }
.Ltmp1:
0x11b: {  	v4 =	vadd.s32 v4, v5;
	v5 =	vshra.s32 v6, $0x18;
	v9 =	vmov s8;
	s8 =	sand.u32 $0x7C0, s3;
	v13 =	vld.idx.msk [tilespmem:v16+s28+$0x0], $0xffff;
	(pc) =	sbr.rel @p0 .LBB2_5-.Ltmp1, $4  }
0x11c: {  	v6 =	vmovc v19;
	v23 =	vor.u32 s8, v1;
	v10 =	vor.u32 s8, v2;
	v22 =	vor.u32 s8, v3;
	v17 =	vld.idx.msk [tilespmem:v16+s29+$0x0], $0xffff  }
0x11d: {  	v20 =	vor.u32 s8, v0;
	v9 =	vshll.u32 v9, $0x7;
	v16 =	vmov s8;
	v15 =	vld.idx.msk [tilespmem:v21+s28+$0x0], $0xffff;
	v7 =	vmovc v18  }
0x11e: {  	v24 =	vand.u32 $0x380, v9;
	v19 =	vand.u32 $0x7E, v10;
	v9 =	vand.u32 $0x7F, v22;
	v18 =	vld.idx.msk [tilespmem:v21+s29+$0x0], $0xffff  }
0x11f: {  	s6 =	sadd.s32 $0x1, s6;
	v10 =	vbroadcast v24, $0x0;
	v22 =	vshll.u32 v16, $0x3;
	v21 =	vand.u32 $0x7D, v23;
	v16 =	vld.idx.msk [tilespmem:v12+s28+$0x0], $0xffff  }
0x120: {  	v20 =	vand.u32 $0x7C, v20  }
0x121: {  	v22 =	vand.u32 $0x3C00, v22;
	v20 =	vor.u32 v20, v10  }
0x122: {  	s1 =	sadd.s32 $0x100, s1;
	v40 =	vor.u32 v22, v20  }
0x123: {  	v11 =	vsub.f32 v11, v14;
	v42 =	vand.u32 $0x1, v7;
	s3 =	sand.u32 $0x3E00, s3;
	v41 =	vor.u32 v21, v10;
	s1 =	sand.u32 $0x100, s1  }
0x124: {  	v44 =	vand.u32 $0x100, v7;
	v47 =	vand.u32 $0x10000, v7;
	s1 =	sor.u32 s1, s3;
	v43 =	vor.u32 v22, v41  }
0x125: {  	v12 =	vld.idx.msk [tilespmem:v12+s29+$0x0], $0xffff;
	v52 =	vand.u32 $0x1000000, v7;
	v7 =	vand.u32 $0x1010101, v7;
	v19 =	vor.u32 v19, v10;
	s1 =	sshrl.u32 s1, $0x2  }
0x126: {  	v6 =	vshra.s32 v6, $0x18;
	v4 =	vadd.s32 v4, v5;
	v19 =	vor.u32 v22, v19;
	v45 =	vld [tilespmem:s1+$0x11000]  }
0x127: {  	v13 =	vsub.f32 v13, v17;
	v9 =	vor.u32 v9, v10;
	v11 =	vmul.f32 v11, v11;
	v46 =	vld.idx.msk [tilespmem:v40+s28+$0x0], $0xffff  }
0x128: {  	vm0 =	veq.s32 v42, $0x0;
	vm9 =	veq.s32 v44, $0x0;
	v9 =	vor.u32 v22, v9;
	v48 =	vld.idx.msk [tilespmem:v40+s29+$0x0], $0xffff  }
0x129: {  	v13 =	vmul.f32 v13, v13;
	v15 =	vsub.f32 v15, v18;
	v11 =	vnsel vm0, $0x0, v11;
	v50 =	vld.idx.msk [tilespmem:v43+s28+$0x0], $0xffff  }
0x12a: {  	vm10 =	veq.s32 v47, $0x0;
	v8 =	vadd.f32 v11, v8;
	v12 =	vsub.f32 v16, v12;
	v51 =	vld.idx.msk [tilespmem:v43+s29+$0x0], $0xffff  }
0x12b: {  	vm11 =	veq.s32 v52, $0x0;
	v13 =	vnsel vm9, $0x0, v13;
	v49 =	vmul.f32 v15, v15;
	v53 =	vld.idx.msk [tilespmem:v19+s28+$0x0], $0xffff  }
0x12c: {  	v7 =	vmul.u32 $0x1010101, v7;
	v8 =	vadd.f32 v13, v8;
	v12 =	vmul.f32 v12, v12;
	v54 =	vld.idx.msk [tilespmem:v19+s29+$0x0], $0xffff  }
0x12d: {  	v4 =	vadd.s32 v4, v6;
	v14 =	vnsel vm10, $0x0, v49;
	v55 =	vld.idx.msk [tilespmem:v9+s28+$0x0], $0xffff;
	v10 =	vsub.f32 v46, v48  }
0x12e: {  	v9 =	vld.idx.msk [tilespmem:v9+s29+$0x0], $0xffff;
	v8 =	vadd.f32 v14, v8;
	v12 =	vnsel vm11, $0x0, v12;
	v56 =	vand.u32 $0x1, v45  }
0x12f: {  	v57 =	vand.u32 $0x100, v45;
	v13 =	vsub.f32 v50, v51;
	v10 =	vmul.f32 v10, v10  }
0x130: {  	v58 =	vand.u32 $0x10000, v45;
	vm12 =	veq.s32 v56, $0x0;
	v8 =	vadd.f32 v12, v8  }
0x131: {  	v14 =	vsub.f32 v53, v54;
	v13 =	vmul.f32 v13, v13;
	v10 =	vnsel vm12, $0x0, v10  }
0x132: {  	s30 =	sadd.s32 $0x1, s30;
	v61 =	vand.u32 $0x1000000, v45;
	vm13 =	veq.s32 v57, $0x0;
	v5 =	vadd.f32 v10, v8  }
0x133: {  	p0 =	sne.s32 s30, $0xE;
	v9 =	vsub.f32 v55, v9;
	v60 =	vmul.f32 v14, v14;
	v59 =	vnsel vm13, $0x0, v13  }
.Ltmp2:
0x134: {  	v62 =	vand.u32 $0x1010101, v45;
	vm14 =	veq.s32 v58, $0x0;
	v5 =	vadd.f32 v59, v5;
	(pc) =	sbr.rel @p0 .LBB2_2-.Ltmp2, $4  }
0x135: {  	v63 =	vmul.u32 $0x1010101, v62;
	v9 =	vmul.f32 v9, v9;
	v8 =	vnsel vm14, $0x0, v60  }
0x136: {  	v7 =	vshra.s32 v7, $0x18;
	vm15 =	veq.s32 v61, $0x0;
	v5 =	vadd.f32 v8, v5  }
0x137: {  	v4 =	vadd.s32 v4, v7;
	v6 =	vnsel vm15, $0x0, v9;
	v8 =	vshra.s32 v63, $0x18  }
0x138: {  	v4 =	vadd.s32 v4, v8;
	v5 =	vadd.f32 v6, v5  }
0x139: {  	[tilespmem:$0x12080] =	vst v4  }
0x13a: {  	s1 =	rddreg [dreg:$0x14];
	s3 =	simm.s32 $0x12000;
	s8 =	simm.s32 $0x7;
	[tilespmem:$0x12000] =	vst v5  }
0x13b: {  	[hbm4b:s1+s4] =	stream.linear.scatter [tilespmem:s3], [sflag:$0x7], $0x80, $0x38;
	[tilespmem:$0x12100] =	vst v63  }
0x13c: {  	_ =	swait.ge [sflag:s8], $0x80  }
0x13d: {  	[sflag:s8] =	ssyncset.done $0x0  }
0x13e: {  	s6 =	simm.s32 $0x12080;
	s9 =	rddreg [dreg:$0x15];
	[sflag:s8] =	ssyncadd.s32 $0xFFFFFF80  }
0x13f: {  	[hbm4b:s9+s4] =	stream.linear.scatter [tilespmem:s6], [sflag:$0x7], $0x80, $0x38;
	[tilespmem:$0x12100] =	vst v63  }
0x140: {  	_ =	swait.ge [sflag:s8], $0x80  }
0x141: {  	s11 =	rddreg [dreg:$0x17]  }
0x142: {  	s30 =	rddreg [dreg:$0x16];
	s6 =	sadd.s32 $0x1, s11  }
0x143: {  	p0 =	sne.s32 s6, s30  }
.Ltmp3:
0x144: {  	_ = 	snop;
	(pc) =	sbr.rel @p0 .LBB2_1-.Ltmp3, $3  }
0x145: {  	_ =	sdelay $0x1  }
0x146: {  	[sflag:s8] =	ssyncset.done $0x0  }
0x147: {  	[sflag:s8] =	ssyncadd.s32 $0xFFFFFF80  }
0x148: {  	_ =	sfence.sel $0x180000  }
0x149: {  	[bflag:$0x0] =	sbarrier.arrive $0xFFFF  }
0x14a: {  	_ =	strace $0x90000047  }
0x14b: {  	s0 =	stileid.u32;
	[bflag:$0x2] =	sbarrier.arrive $0xFFFF  }
0x14c: {  	p0 =	sne.s32 s0, $0x0;
	s0 =	rddreg [dreg:$0x3]  }
0x14d: {  	s0 =	sadd.s32 @!p0 $0x100000, s0  }
0x14e: {  	[sflag:s0] =	ssyncadd.tile.s32 @!p0 $0x1;
	_ =	shalt  }
.Lfunc_end2:
_tile_overlayer_lowered:
.L_overlay_start_2:
0x14f: {  	(tag) =	ssettag $0x2  }
0x150: {  	s0 =	rddreg [dreg:$0x0];
	s2 =	stileid.u32  }
0x151: {  	s1 =	rddreg [dreg:$0x1];
	p0 =	sne.s32 s2, $0x0  }
0x152: {  	s3 =	rddreg [dreg:$0x2];
	[bflag:$0x3] =	sbarrier.arrive $0xFFFF;
	s2 =	simm.s32 @!p0 $0x1C07  }
0x153: {  	[timem:s3], [sflag:s2] =	dma.local @!p0 [hbm:s0], s1  }
0x154: {  	s0 =	simm.s32 @!p0 $0x7  }
0x155: {  	_ =	swait.ge @!p0 [sflag:s0], s1  }
0x156: {  	s1 =	ssub.s32 @!p0 $0x0, s1;
	[sflag:s0] =	ssyncset.done @!p0 $0x0  }
0x157: {  	[sflag:s0] =	ssyncadd.s32 @!p0 s1  }
0x158: {  	[bflag:$0x3] =	sbarrier.arrive $0xFFFF  }
0x159: {  	_ =	shalt  }

</sc_bundles>
